<compile_context>
chip_gen: v7x
topology: tpu7x:2x2x1
jax: 0.10.2.dev20260603
libtpu: 0.0.44.dev20260713+nightly
codegen_flags: <defaults>
</compile_context>

<pallas_src>
import functools

import jax
import jax.numpy as jnp
from jax import lax
from jax.experimental import pallas as pl
from jax.experimental.pallas import tpu as pltpu
from jax.experimental.pallas import tpu_sc as plsc

N = 10000
F = 128
C = 64
NPG = 100
G = N // NPG
E = 320000
H = 256

NUM_CORES = 2
NUM_SUBCORES = 16
NW = NUM_CORES * NUM_SUBCORES
EPW = E // NW
CHUNK = 80
K = EPW // CHUNK
NBUF = 4
ROWS_PER_TILE = 624
TAIL_ROWS = N - ROWS_PER_TILE * NUM_SUBCORES
ZROWS = 104


def _msg_body(x_ref, wc_ref, bc_ref, m_ref):
    m_lo = jnp.dot(x_ref[0:N // 2], wc_ref[...],
                   preferred_element_type=jnp.float32) + bc_ref[...]
    m_hi = jnp.dot(x_ref[N // 2:N], wc_ref[...],
                   preferred_element_type=jnp.float32) + bc_ref[...]
    m_ref[...] = jnp.concatenate([m_lo, m_hi], axis=1)


_msg_call = pl.pallas_call(
    _msg_body,
    out_shape=jax.ShapeDtypeStruct((N // 2, 2 * C), jnp.float32),
)


def _sc_scatter_body(edge_hbm, m_hbm, out_hbm,
                     src_v, fsrc_v, dst_stage, dst_v,
                     gbuf0, gbuf1, gbuf2, gbuf3, zbuf, agg_sh,
                     gsem0, gsem1, gsem2, gsem3,
                     ssem0, ssem1, ssem2, ssem3):
    cid = lax.axis_index("c")
    sid = lax.axis_index("s")
    wid = cid * NUM_SUBCORES + sid
    base = wid * EPW
    gbuf = [gbuf0, gbuf1, gbuf2, gbuf3]
    gsem = [gsem0, gsem1, gsem2, gsem3]
    ssem = [ssem0, ssem1, ssem2, ssem3]

    pltpu.async_copy(edge_hbm.at[0, pl.ds(base, EPW)], src_v, ssem0)
    pltpu.async_copy(edge_hbm.at[1, pl.ds(base, EPW)], dst_stage, ssem1)
    pltpu.make_async_copy(edge_hbm.at[0, pl.ds(base, EPW)], src_v, ssem0).wait()

    def _xform(j):
        for q in range(CHUNK // 16):
            off = j * CHUNK + q * 16
            s = src_v[pl.ds(off, 16)]
            fsrc_v[pl.ds(off, 16)] = jnp.where(
                s < N // 2, 2 * s, 2 * s - (N - 1))

    def _gather(j, b):
        pltpu.async_copy(
            m_hbm.at[fsrc_v.at[pl.ds(j * CHUNK, CHUNK)]], gbuf[b], gsem[b])

    def _gather_wait(j, b):
        pltpu.make_async_copy(
            m_hbm.at[fsrc_v.at[pl.ds(j * CHUNK, CHUNK)]], gbuf[b], gsem[b]).wait()

    for b in range(NBUF):
        _xform(b)
        _gather(b, b)

    zero16 = jnp.zeros((16,), jnp.float32)

    def _zrow(r, carry):
        for q in range(C // 16):
            zbuf[r, pl.ds(q * 16, 16)] = zero16
        return carry

    lax.fori_loop(0, ZROWS, _zrow, 0)

    row0 = sid * ROWS_PER_TILE
    for b in range(ROWS_PER_TILE // ZROWS):
        pltpu.sync_copy(zbuf, agg_sh.at[pl.ds(row0 + b * ZROWS, ZROWS)])

    @pl.when(sid == NUM_SUBCORES - 1)
    def _zero_tail():
        pltpu.sync_copy(
            zbuf.at[pl.ds(0, TAIL_ROWS)],
            agg_sh.at[pl.ds(N - TAIL_ROWS, TAIL_ROWS)],
        )

    pltpu.make_async_copy(
        edge_hbm.at[1, pl.ds(base, EPW)], dst_stage, ssem1).wait()

    def _prow(j, carry):
        for q in range(CHUNK // 16):
            dst_v[j, pl.ds(q * 16, 16)] = dst_stage[pl.ds(j * CHUNK + q * 16, 16)]
        return carry

    lax.fori_loop(0, K, _prow, 0)

    plsc.subcore_barrier()

    def _round(jj, carry):
        for b in range(NBUF):
            j = NBUF * jj + b

            @pl.when(j + NBUF < K)
            def _prep():
                _xform(j + NBUF)

            _gather_wait(j, b)
            pltpu.async_copy(gbuf[b], agg_sh.at[dst_v.at[j]], ssem[b], add=True)

            @pl.when(j + NBUF < K)
            def _refill():
                pltpu.make_async_copy(
                    gbuf[b], agg_sh.at[dst_v.at[j]], ssem[b]).wait()
                _gather(j + NBUF, b)
        return carry

    lax.fori_loop(0, (K - 1) // NBUF, _round, 0)

    _gather_wait(K - 1, 0)
    pltpu.sync_copy(gbuf[0], agg_sh.at[dst_v.at[K - 1]], add=True)
    for b in range(1, NBUF):
        pltpu.make_async_copy(
            gbuf[b], agg_sh.at[dst_v.at[K - NBUF - 1 + b]], ssem[b]).wait()

    plsc.subcore_barrier()

    pltpu.sync_copy(
        agg_sh.at[pl.ds(row0, ROWS_PER_TILE)],
        out_hbm.at[cid, pl.ds(row0, ROWS_PER_TILE)],
    )

    @pl.when(sid == NUM_SUBCORES - 1)
    def _write_tail():
        pltpu.sync_copy(
            agg_sh.at[pl.ds(N - TAIL_ROWS, TAIL_ROWS)],
            out_hbm.at[cid, pl.ds(N - TAIL_ROWS, TAIL_ROWS)],
        )


def _mlp_body(p_ref, w1_ref, b1_ref, w2_ref, b2_ref, w3_ref, b3_ref, o_ref):
    s = p_ref[0] + p_ref[1]
    h = jnp.where(s > 0.0, s, jnp.exp(jnp.minimum(s, 0.0)) - 1.0)
    z1 = jnp.dot(h, w1_ref[...], preferred_element_type=jnp.float32) + b1_ref[...]
    z1 = jnp.maximum(z1, 0.0)
    z2 = jnp.dot(z1, w2_ref[...], preferred_element_type=jnp.float32) + b2_ref[...]
    z2 = jnp.maximum(z2, 0.0)
    z3 = jnp.dot(z2, w3_ref[...], preferred_element_type=jnp.float32) + b3_ref[...]
    o_ref[...] = 1.0 / (1.0 + jnp.exp(-z3))


_mlp_call = pl.pallas_call(
    _mlp_body,
    out_shape=jax.ShapeDtypeStruct((G, 1), jnp.float32),
)


@functools.cache
def _sc_scatter_call():
    mesh = plsc.VectorSubcoreMesh(
        core_axis_name="c", subcore_axis_name="s",
        num_cores=NUM_CORES, num_subcores=NUM_SUBCORES,
    )
    return pl.kernel(
        _sc_scatter_body,
        out_type=jax.ShapeDtypeStruct((NUM_CORES, N, C), jnp.float32),
        mesh=mesh,
        scratch_types=(
            [
                pltpu.VMEM((EPW,), jnp.int32),
                pltpu.VMEM((EPW,), jnp.int32),
                pltpu.VMEM((EPW,), jnp.int32),
                pltpu.VMEM((K, CHUNK), jnp.int32),
            ]
            + [pltpu.VMEM((CHUNK, C), jnp.float32)] * NBUF
            + [
                pltpu.VMEM((ZROWS, C), jnp.float32),
                pltpu.VMEM_SHARED((N, C), jnp.float32),
            ]
            + [pltpu.SemaphoreType.DMA] * (2 * NBUF)
        ),
        compiler_params=pltpu.CompilerParams(use_tc_tiling_on_sc=False),
    )


def kernel(x, edge_index, i, Wc, bc, W1, b1, W2, b2, W3, b3):
    del i
    m = _msg_call(x, Wc, bc.reshape(1, C)).reshape(N, C)
    partials = _sc_scatter_call()(edge_index, m)
    p = partials.reshape(NUM_CORES, G, NPG * C)
    out = _mlp_call(p, W1, b1.reshape(1, -1), W2, b2.reshape(1, -1),
                    W3, b3.reshape(1, 1))
    return out

# --- scband reference (transcript-rebuilt; emitter-appended) ---
"""Pipeline reference for scband-net-18803366822520 (READ-ONLY COPY).

The authoritative reference and input builder live on the scoring server;
editing this copy changes nothing except your own understanding.
"""

import jax, jax.numpy as jnp
import numpy as np

N = 10000
E = 320000
F = 128
C = 64
H = 256
NODES_PER_GRAPH = 100
G = N // NODES_PER_GRAPH


def setup_inputs(seed: int = 0) -> dict:
    key = jax.random.key(seed)
    ks = jax.random.split(key, 12)
    x = jax.random.normal(ks[0], (N, F), dtype=jnp.float32)
    edge_index = jax.random.randint(ks[1], (2, E), 0, N, dtype=jnp.int32)
    i = jnp.repeat(jnp.arange(G, dtype=jnp.int32), NODES_PER_GRAPH)
    Wc = jax.random.normal(ks[2], (F, C), dtype=jnp.float32) / np.sqrt(F)
    bc = jnp.zeros((C,), dtype=jnp.float32)
    W1 = jax.random.normal(ks[3], (NODES_PER_GRAPH * C, H), dtype=jnp.float32) / np.sqrt(NODES_PER_GRAPH * C)
    b1 = jnp.zeros((H,), dtype=jnp.float32)
    W2 = jax.random.normal(ks[4], (H, H // 2), dtype=jnp.float32) / np.sqrt(H)
    b2 = jnp.zeros((H // 2,), dtype=jnp.float32)
    W3 = jax.random.normal(ks[5], (H // 2, 1), dtype=jnp.float32) / np.sqrt(H // 2)
    b3 = jnp.zeros((1,), dtype=jnp.float32)
    return {"x": x, "edge_index": edge_index, "i": i, "Wc": Wc, "bc": bc,
            "W1": W1, "b1": b1, "W2": W2, "b2": b2, "W3": W3, "b3": b3}


def reference(x, edge_index, i, Wc, bc, W1, b1, W2, b2, W3, b3):
    # GeneralConv (sum aggregate, elu): message = x @ Wc + bc, scatter-add over edges
    src = edge_index[0]
    dst = edge_index[1]
    m = x @ Wc + bc
    agg = jnp.zeros((x.shape[0], m.shape[1]), dtype=m.dtype).at[dst].add(m[src])
    h = jax.nn.elu(agg)
    # reshape [N/100, 100, C] then flatten per-graph
    h = h.reshape(-1, NODES_PER_GRAPH, C)
    out = h.reshape(h.shape[0], -1)
    out = jax.nn.relu(out @ W1 + b1)
    out = jax.nn.relu(out @ W2 + b2)
    # dropout is identity at inference
    out = jax.nn.sigmoid(out @ W3 + b3)
    return out

if __name__ == "__main__":
    import jax
    _d = setup_inputs()
    print(jax.jit(kernel)(*tuple(_d.values())))

</pallas_src>

<mosaic_0001>
#map = affine_map<(d0, d1) -> (0, 0)>
#map1 = affine_map<(d0, d1) -> (0, 0, 0)>
module attributes {stable_mosaic.version = 14 : i64} {
  func.func @_sc_scatter_body(%arg0: i32, %arg1: i32, %arg2: memref<2x320000xi32, #tpu.memory_space<hbm>>, %arg3: memref<10000x64xf32, #tpu.memory_space<hbm>>, %arg4: memref<2x10000x64xf32, #tpu.memory_space<hbm>>, %arg5: memref<10000xi32, #tpu.memory_space<vmem>>, %arg6: memref<10000xi32, #tpu.memory_space<vmem>>, %arg7: memref<10000xi32, #tpu.memory_space<vmem>>, %arg8: memref<125x80xi32, #tpu.memory_space<vmem>>, %arg9: memref<80x64xf32, #tpu.memory_space<vmem>>, %arg10: memref<80x64xf32, #tpu.memory_space<vmem>>, %arg11: memref<80x64xf32, #tpu.memory_space<vmem>>, %arg12: memref<80x64xf32, #tpu.memory_space<vmem>>, %arg13: memref<104x64xf32, #tpu.memory_space<vmem>>, %arg14: memref<10000x64xf32, #tpu.memory_space<vmem_shared>>, %arg15: memref<!tpu.dma_semaphore, #tpu.memory_space<semaphore_mem>>, %arg16: memref<!tpu.dma_semaphore, #tpu.memory_space<semaphore_mem>>, %arg17: memref<!tpu.dma_semaphore, #tpu.memory_space<semaphore_mem>>, %arg18: memref<!tpu.dma_semaphore, #tpu.memory_space<semaphore_mem>>, %arg19: memref<!tpu.dma_semaphore, #tpu.memory_space<semaphore_mem>>, %arg20: memref<!tpu.dma_semaphore, #tpu.memory_space<semaphore_mem>>, %arg21: memref<!tpu.dma_semaphore, #tpu.memory_space<semaphore_mem>>, %arg22: memref<!tpu.dma_semaphore, #tpu.memory_space<semaphore_mem>>) attributes {dimension_semantics = [#tpu.dimension_semantics<core_parallel>, #tpu.dimension_semantics<subcore_parallel>], iteration_bounds = array<i64: 2, 16>, scalar_prefetch = 0 : i64, scratch_operands = 18 : i64, tpu.core_type = #tpu.core_type<sc_vector_subcore>, window_params = [{transform_indices = #map}, {transform_indices = #map}, {transform_indices = #map1}]} {
    %mul3A = arith.constant 16 : i32
    %mul3A_0 = arith.muli %arg0, %mul3A : i32
    %add3A = arith.addi %mul3A_0, %arg1 : i32
    %mul3A_1 = arith.constant 10000 : i32
    %mul3A_2 = arith.muli %add3A, %mul3A_1 : i32
    %dma_start3A = arith.constant 0 : i32
    %dma_start3A_3 = tpu.memref_slice %arg2[%dma_start3A, %mul3A_2] : memref<2x320000xi32, #tpu.memory_space<hbm>> -> memref<1x10000xi32, #tpu.memory_space<hbm>>
    %dma_start3A_4 = tpu.memref_squeeze %dma_start3A_3 : memref<1x10000xi32, #tpu.memory_space<hbm>> -> memref<10000xi32, #tpu.memory_space<hbm>>
    %dma_start3A_5 = tpu.memref_slice %arg2[%dma_start3A, %mul3A_2] : memref<2x320000xi32, #tpu.memory_space<hbm>> -> memref<1x10000xi32, #tpu.memory_space<hbm>>
    %dma_start3A_6 = tpu.memref_squeeze %dma_start3A_5 : memref<1x10000xi32, #tpu.memory_space<hbm>> -> memref<10000xi32, #tpu.memory_space<hbm>>
    tpu.enqueue_dma source(%dma_start3A_6 : memref<10000xi32, #tpu.memory_space<hbm>>) target(%arg5 : memref<10000xi32, #tpu.memory_space<vmem>>) target_semaphore(%arg19 : memref<!tpu.dma_semaphore, #tpu.memory_space<semaphore_mem>>)
    %dma_start3A_7 = arith.constant 1 : i32
    %dma_start3A_8 = tpu.memref_slice %arg2[%dma_start3A_7, %mul3A_2] : memref<2x320000xi32, #tpu.memory_space<hbm>> -> memref<1x10000xi32, #tpu.memory_space<hbm>>
    %dma_start3A_9 = tpu.memref_squeeze %dma_start3A_8 : memref<1x10000xi32, #tpu.memory_space<hbm>> -> memref<10000xi32, #tpu.memory_space<hbm>>
    %dma_start3A_10 = tpu.memref_slice %arg2[%dma_start3A_7, %mul3A_2] : memref<2x320000xi32, #tpu.memory_space<hbm>> -> memref<1x10000xi32, #tpu.memory_space<hbm>>
    %dma_start3A_11 = tpu.memref_squeeze %dma_start3A_10 : memref<1x10000xi32, #tpu.memory_space<hbm>> -> memref<10000xi32, #tpu.memory_space<hbm>>
    tpu.enqueue_dma source(%dma_start3A_11 : memref<10000xi32, #tpu.memory_space<hbm>>) target(%arg7 : memref<10000xi32, #tpu.memory_space<vmem>>) target_semaphore(%arg20 : memref<!tpu.dma_semaphore, #tpu.memory_space<semaphore_mem>>)
    %dma_wait3A = arith.constant 0 : i32
    %dma_wait3A_12 = tpu.memref_slice %arg2[%dma_wait3A, %mul3A_2] : memref<2x320000xi32, #tpu.memory_space<hbm>> -> memref<1x10000xi32, #tpu.memory_space<hbm>>
    %dma_wait3A_13 = tpu.memref_squeeze %dma_wait3A_12 : memref<1x10000xi32, #tpu.memory_space<hbm>> -> memref<10000xi32, #tpu.memory_space<hbm>>
    %dma_wait3A_14 = tpu.memref_slice %arg2[%dma_wait3A, %mul3A_2] : memref<2x320000xi32, #tpu.memory_space<hbm>> -> memref<1x10000xi32, #tpu.memory_space<hbm>>
    %dma_wait3A_15 = tpu.memref_squeeze %dma_wait3A_14 : memref<1x10000xi32, #tpu.memory_space<hbm>> -> memref<10000xi32, #tpu.memory_space<hbm>>
    tpu.wait_dma2 semaphore(%arg19 : memref<!tpu.dma_semaphore, #tpu.memory_space<semaphore_mem>>) src(%dma_wait3A_15 : memref<10000xi32, #tpu.memory_space<hbm>>) dst(%arg5 : memref<10000xi32, #tpu.memory_space<vmem>>)
    %get3A = arith.constant 0 : index
    %get3A_16 = tpu.vector_load %arg5[%get3A] {strides = array<i32>} : memref<10000xi32, #tpu.memory_space<vmem>>, vector<16xi32>,
    %get3A_17 = vector.shape_cast %get3A_16 : vector<16xi32> to vector<16xi32>
    %lt3A = arith.constant 5000 : i32
    %lt3A_18 = vector.broadcast %lt3A : i32 to vector<16xi32>
    %lt3A_19 = arith.cmpi slt, %get3A_17, %lt3A_18 : vector<16xi32>
    %mul3A_20 = arith.constant 2 : i32
    %mul3A_21 = vector.broadcast %mul3A_20 : i32 to vector<16xi32>
    %mul3A_22 = arith.muli %mul3A_21, %get3A_17 : vector<16xi32>
    %mul3A_23 = arith.constant 2 : i32
    %mul3A_24 = vector.broadcast %mul3A_23 : i32 to vector<16xi32>
    %mul3A_25 = arith.muli %mul3A_24, %get3A_17 : vector<16xi32>
    %sub3A = arith.constant 9999 : i32
    %sub3A_26 = vector.broadcast %sub3A : i32 to vector<16xi32>
    %sub3A_27 = arith.subi %mul3A_25, %sub3A_26 : vector<16xi32>
    %select_n3A = arith.select %lt3A_19, %mul3A_22, %sub3A_27 : vector<16xi1>, vector<16xi32>
    %swap3A = arith.constant 0 : index
    %swap3A_28 = tpu.vector_load %arg6[%swap3A] {strides = array<i32>} : memref<10000xi32, #tpu.memory_space<vmem>>, vector<16xi32>,
    %swap3A_29 = vector.shape_cast %swap3A_28 : vector<16xi32> to vector<16xi32>
    %swap3A_30 = vector.shape_cast %select_n3A : vector<16xi32> to vector<16xi32>
    tpu.vector_store %arg6[%swap3A], %swap3A_30 {strides = array<i32>} : memref<10000xi32, #tpu.memory_space<vmem>>, vector<16xi32>,
    %get3A_31 = arith.constant 16 : index
    %get3A_32 = tpu.vector_load %arg5[%get3A_31] {strides = array<i32>} : memref<10000xi32, #tpu.memory_space<vmem>>, vector<16xi32>,
    %get3A_33 = vector.shape_cast %get3A_32 : vector<16xi32> to vector<16xi32>
    %lt3A_34 = arith.constant 5000 : i32
    %lt3A_35 = vector.broadcast %lt3A_34 : i32 to vector<16xi32>
    %lt3A_36 = arith.cmpi slt, %get3A_33, %lt3A_35 : vector<16xi32>
    %mul3A_37 = arith.constant 2 : i32
    %mul3A_38 = vector.broadcast %mul3A_37 : i32 to vector<16xi32>
    %mul3A_39 = arith.muli %mul3A_38, %get3A_33 : vector<16xi32>
    %mul3A_40 = arith.constant 2 : i32
    %mul3A_41 = vector.broadcast %mul3A_40 : i32 to vector<16xi32>
    %mul3A_42 = arith.muli %mul3A_41, %get3A_33 : vector<16xi32>
    %sub3A_43 = arith.constant 9999 : i32
    %sub3A_44 = vector.broadcast %sub3A_43 : i32 to vector<16xi32>
    %sub3A_45 = arith.subi %mul3A_42, %sub3A_44 : vector<16xi32>
    %select_n3A_46 = arith.select %lt3A_36, %mul3A_39, %sub3A_45 : vector<16xi1>, vector<16xi32>
    %swap3A_47 = arith.constant 16 : index
    %swap3A_48 = tpu.vector_load %arg6[%swap3A_47] {strides = array<i32>} : memref<10000xi32, #tpu.memory_space<vmem>>, vector<16xi32>,
    %swap3A_49 = vector.shape_cast %swap3A_48 : vector<16xi32> to vector<16xi32>
    %swap3A_50 = vector.shape_cast %select_n3A_46 : vector<16xi32> to vector<16xi32>
    tpu.vector_store %arg6[%swap3A_47], %swap3A_50 {strides = array<i32>} : memref<10000xi32, #tpu.memory_space<vmem>>, vector<16xi32>,
    %get3A_51 = arith.constant 32 : index
    %get3A_52 = tpu.vector_load %arg5[%get3A_51] {strides = array<i32>} : memref<10000xi32, #tpu.memory_space<vmem>>, vector<16xi32>,
    %get3A_53 = vector.shape_cast %get3A_52 : vector<16xi32> to vector<16xi32>
    %lt3A_54 = arith.constant 5000 : i32
    %lt3A_55 = vector.broadcast %lt3A_54 : i32 to vector<16xi32>
    %lt3A_56 = arith.cmpi slt, %get3A_53, %lt3A_55 : vector<16xi32>
    %mul3A_57 = arith.constant 2 : i32
    %mul3A_58 = vector.broadcast %mul3A_57 : i32 to vector<16xi32>
    %mul3A_59 = arith.muli %mul3A_58, %get3A_53 : vector<16xi32>
    %mul3A_60 = arith.constant 2 : i32
    %mul3A_61 = vector.broadcast %mul3A_60 : i32 to vector<16xi32>
    %mul3A_62 = arith.muli %mul3A_61, %get3A_53 : vector<16xi32>
    %sub3A_63 = arith.constant 9999 : i32
    %sub3A_64 = vector.broadcast %sub3A_63 : i32 to vector<16xi32>
    %sub3A_65 = arith.subi %mul3A_62, %sub3A_64 : vector<16xi32>
    %select_n3A_66 = arith.select %lt3A_56, %mul3A_59, %sub3A_65 : vector<16xi1>, vector<16xi32>
    %swap3A_67 = arith.constant 32 : index
    %swap3A_68 = tpu.vector_load %arg6[%swap3A_67] {strides = array<i32>} : memref<10000xi32, #tpu.memory_space<vmem>>, vector<16xi32>,
    %swap3A_69 = vector.shape_cast %swap3A_68 : vector<16xi32> to vector<16xi32>
    %swap3A_70 = vector.shape_cast %select_n3A_66 : vector<16xi32> to vector<16xi32>
    tpu.vector_store %arg6[%swap3A_67], %swap3A_70 {strides = array<i32>} : memref<10000xi32, #tpu.memory_space<vmem>>, vector<16xi32>,
    %get3A_71 = arith.constant 48 : index
    %get3A_72 = tpu.vector_load %arg5[%get3A_71] {strides = array<i32>} : memref<10000xi32, #tpu.memory_space<vmem>>, vector<16xi32>,
    %get3A_73 = vector.shape_cast %get3A_72 : vector<16xi32> to vector<16xi32>
    %lt3A_74 = arith.constant 5000 : i32
    %lt3A_75 = vector.broadcast %lt3A_74 : i32 to vector<16xi32>
    %lt3A_76 = arith.cmpi slt, %get3A_73, %lt3A_75 : vector<16xi32>
    %mul3A_77 = arith.constant 2 : i32
    %mul3A_78 = vector.broadcast %mul3A_77 : i32 to vector<16xi32>
    %mul3A_79 = arith.muli %mul3A_78, %get3A_73 : vector<16xi32>
    %mul3A_80 = arith.constant 2 : i32
    %mul3A_81 = vector.broadcast %mul3A_80 : i32 to vector<16xi32>
    %mul3A_82 = arith.muli %mul3A_81, %get3A_73 : vector<16xi32>
    %sub3A_83 = arith.constant 9999 : i32
    %sub3A_84 = vector.broadcast %sub3A_83 : i32 to vector<16xi32>
    %sub3A_85 = arith.subi %mul3A_82, %sub3A_84 : vector<16xi32>
    %select_n3A_86 = arith.select %lt3A_76, %mul3A_79, %sub3A_85 : vector<16xi1>, vector<16xi32>
    %swap3A_87 = arith.constant 48 : index
    %swap3A_88 = tpu.vector_load %arg6[%swap3A_87] {strides = array<i32>} : memref<10000xi32, #tpu.memory_space<vmem>>, vector<16xi32>,
    %swap3A_89 = vector.shape_cast %swap3A_88 : vector<16xi32> to vector<16xi32>
    %swap3A_90 = vector.shape_cast %select_n3A_86 : vector<16xi32> to vector<16xi32>
    tpu.vector_store %arg6[%swap3A_87], %swap3A_90 {strides = array<i32>} : memref<10000xi32, #tpu.memory_space<vmem>>, vector<16xi32>,
    %get3A_91 = arith.constant 64 : index
    %get3A_92 = tpu.vector_load %arg5[%get3A_91] {strides = array<i32>} : memref<10000xi32, #tpu.memory_space<vmem>>, vector<16xi32>,
    %get3A_93 = vector.shape_cast %get3A_92 : vector<16xi32> to vector<16xi32>
    %lt3A_94 = arith.constant 5000 : i32
    %lt3A_95 = vector.broadcast %lt3A_94 : i32 to vector<16xi32>
    %lt3A_96 = arith.cmpi slt, %get3A_93, %lt3A_95 : vector<16xi32>
    %mul3A_97 = arith.constant 2 : i32
    %mul3A_98 = vector.broadcast %mul3A_97 : i32 to vector<16xi32>
    %mul3A_99 = arith.muli %mul3A_98, %get3A_93 : vector<16xi32>
    %mul3A_100 = arith.constant 2 : i32
    %mul3A_101 = vector.broadcast %mul3A_100 : i32 to vector<16xi32>
    %mul3A_102 = arith.muli %mul3A_101, %get3A_93 : vector<16xi32>
    %sub3A_103 = arith.constant 9999 : i32
    %sub3A_104 = vector.broadcast %sub3A_103 : i32 to vector<16xi32>
    %sub3A_105 = arith.subi %mul3A_102, %sub3A_104 : vector<16xi32>
    %select_n3A_106 = arith.select %lt3A_96, %mul3A_99, %sub3A_105 : vector<16xi1>, vector<16xi32>
    %swap3A_107 = arith.constant 64 : index
    %swap3A_108 = tpu.vector_load %arg6[%swap3A_107] {strides = array<i32>} : memref<10000xi32, #tpu.memory_space<vmem>>, vector<16xi32>,
    %swap3A_109 = vector.shape_cast %swap3A_108 : vector<16xi32> to vector<16xi32>
    %swap3A_110 = vector.shape_cast %select_n3A_106 : vector<16xi32> to vector<16xi32>
    tpu.vector_store %arg6[%swap3A_107], %swap3A_110 {strides = array<i32>} : memref<10000xi32, #tpu.memory_space<vmem>>, vector<16xi32>,
    %dma_start3A_111 = arith.constant 0 : i32
    %dma_start3A_112 = tpu.memref_slice %arg6[%dma_start3A_111] : memref<10000xi32, #tpu.memory_space<vmem>> -> memref<80xi32, #tpu.memory_space<vmem>>
    %dma_start3A_113 = arith.constant 0 : i32
    %dma_start3A_114 = arith.constant 0 : i32
    %dma_start3A_115 = tpu.memref_slice %arg3[%dma_start3A_113, %dma_start3A_114] : memref<10000x64xf32, #tpu.memory_space<hbm>> -> memref<10000x64xf32, #tpu.memory_space<hbm>>
    tpu.enqueue_indirect_dma source(%dma_start3A_115 : memref<10000x64xf32, #tpu.memory_space<hbm>>) target(%arg9 : memref<80x64xf32, #tpu.memory_space<vmem>>) offsets(%dma_start3A_112 : memref<80xi32, #tpu.memory_space<vmem>>) semaphore(%arg15 : memref<!tpu.dma_semaphore, #tpu.memory_space<semaphore_mem>>)
    %get3A_116 = arith.constant 80 : index
    %get3A_117 = tpu.vector_load %arg5[%get3A_116] {strides = array<i32>} : memref<10000xi32, #tpu.memory_space<vmem>>, vector<16xi32>,
    %get3A_118 = vector.shape_cast %get3A_117 : vector<16xi32> to vector<16xi32>
    %lt3A_119 = arith.constant 5000 : i32
    %lt3A_120 = vector.broadcast %lt3A_119 : i32 to vector<16xi32>
    %lt3A_121 = arith.cmpi slt, %get3A_118, %lt3A_120 : vector<16xi32>
    %mul3A_122 = arith.constant 2 : i32
    %mul3A_123 = vector.broadcast %mul3A_122 : i32 to vector<16xi32>
    %mul3A_124 = arith.muli %mul3A_123, %get3A_118 : vector<16xi32>
    %mul3A_125 = arith.constant 2 : i32
    %mul3A_126 = vector.broadcast %mul3A_125 : i32 to vector<16xi32>
    %mul3A_127 = arith.muli %mul3A_126, %get3A_118 : vector<16xi32>
    %sub3A_128 = arith.constant 9999 : i32
    %sub3A_129 = vector.broadcast %sub3A_128 : i32 to vector<16xi32>
    %sub3A_130 = arith.subi %mul3A_127, %sub3A_129 : vector<16xi32>
    %select_n3A_131 = arith.select %lt3A_121, %mul3A_124, %sub3A_130 : vector<16xi1>, vector<16xi32>
    %swap3A_132 = arith.constant 80 : index
    %swap3A_133 = tpu.vector_load %arg6[%swap3A_132] {strides = array<i32>} : memref<10000xi32, #tpu.memory_space<vmem>>, vector<16xi32>,
    %swap3A_134 = vector.shape_cast %swap3A_133 : vector<16xi32> to vector<16xi32>
    %swap3A_135 = vector.shape_cast %select_n3A_131 : vector<16xi32> to vector<16xi32>
    tpu.vector_store %arg6[%swap3A_132], %swap3A_135 {strides = array<i32>} : memref<10000xi32, #tpu.memory_space<vmem>>, vector<16xi32>,
    %get3A_136 = arith.constant 96 : index
    %get3A_137 = tpu.vector_load %arg5[%get3A_136] {strides = array<i32>} : memref<10000xi32, #tpu.memory_space<vmem>>, vector<16xi32>,
    %get3A_138 = vector.shape_cast %get3A_137 : vector<16xi32> to vector<16xi32>
    %lt3A_139 = arith.constant 5000 : i32
    %lt3A_140 = vector.broadcast %lt3A_139 : i32 to vector<16xi32>
    %lt3A_141 = arith.cmpi slt, %get3A_138, %lt3A_140 : vector<16xi32>
    %mul3A_142 = arith.constant 2 : i32
    %mul3A_143 = vector.broadcast %mul3A_142 : i32 to vector<16xi32>
    %mul3A_144 = arith.muli %mul3A_143, %get3A_138 : vector<16xi32>
    %mul3A_145 = arith.constant 2 : i32
    %mul3A_146 = vector.broadcast %mul3A_145 : i32 to vector<16xi32>
    %mul3A_147 = arith.muli %mul3A_146, %get3A_138 : vector<16xi32>
    %sub3A_148 = arith.constant 9999 : i32
    %sub3A_149 = vector.broadcast %sub3A_148 : i32 to vector<16xi32>
    %sub3A_150 = arith.subi %mul3A_147, %sub3A_149 : vector<16xi32>
    %select_n3A_151 = arith.select %lt3A_141, %mul3A_144, %sub3A_150 : vector<16xi1>, vector<16xi32>
    %swap3A_152 = arith.constant 96 : index
    %swap3A_153 = tpu.vector_load %arg6[%swap3A_152] {strides = array<i32>} : memref<10000xi32, #tpu.memory_space<vmem>>, vector<16xi32>,
    %swap3A_154 = vector.shape_cast %swap3A_153 : vector<16xi32> to vector<16xi32>
    %swap3A_155 = vector.shape_cast %select_n3A_151 : vector<16xi32> to vector<16xi32>
    tpu.vector_store %arg6[%swap3A_152], %swap3A_155 {strides = array<i32>} : memref<10000xi32, #tpu.memory_space<vmem>>, vector<16xi32>,
    %get3A_156 = arith.constant 112 : index
    %get3A_157 = tpu.vector_load %arg5[%get3A_156] {strides = array<i32>} : memref<10000xi32, #tpu.memory_space<vmem>>, vector<16xi32>,
    %get3A_158 = vector.shape_cast %get3A_157 : vector<16xi32> to vector<16xi32>
    %lt3A_159 = arith.constant 5000 : i32
    %lt3A_160 = vector.broadcast %lt3A_159 : i32 to vector<16xi32>
    %lt3A_161 = arith.cmpi slt, %get3A_158, %lt3A_160 : vector<16xi32>
    %mul3A_162 = arith.constant 2 : i32
    %mul3A_163 = vector.broadcast %mul3A_162 : i32 to vector<16xi32>
    %mul3A_164 = arith.muli %mul3A_163, %get3A_158 : vector<16xi32>
    %mul3A_165 = arith.constant 2 : i32
    %mul3A_166 = vector.broadcast %mul3A_165 : i32 to vector<16xi32>
    %mul3A_167 = arith.muli %mul3A_166, %get3A_158 : vector<16xi32>
    %sub3A_168 = arith.constant 9999 : i32
    %sub3A_169 = vector.broadcast %sub3A_168 : i32 to vector<16xi32>
    %sub3A_170 = arith.subi %mul3A_167, %sub3A_169 : vector<16xi32>
    %select_n3A_171 = arith.select %lt3A_161, %mul3A_164, %sub3A_170 : vector<16xi1>, vector<16xi32>
    %swap3A_172 = arith.constant 112 : index
    %swap3A_173 = tpu.vector_load %arg6[%swap3A_172] {strides = array<i32>} : memref<10000xi32, #tpu.memory_space<vmem>>, vector<16xi32>,
    %swap3A_174 = vector.shape_cast %swap3A_173 : vector<16xi32> to vector<16xi32>
    %swap3A_175 = vector.shape_cast %select_n3A_171 : vector<16xi32> to vector<16xi32>
    tpu.vector_store %arg6[%swap3A_172], %swap3A_175 {strides = array<i32>} : memref<10000xi32, #tpu.memory_space<vmem>>, vector<16xi32>,
    %get3A_176 = arith.constant 128 : index
    %get3A_177 = tpu.vector_load %arg5[%get3A_176] {strides = array<i32>} : memref<10000xi32, #tpu.memory_space<vmem>>, vector<16xi32>,
    %get3A_178 = vector.shape_cast %get3A_177 : vector<16xi32> to vector<16xi32>
    %lt3A_179 = arith.constant 5000 : i32
    %lt3A_180 = vector.broadcast %lt3A_179 : i32 to vector<16xi32>
    %lt3A_181 = arith.cmpi slt, %get3A_178, %lt3A_180 : vector<16xi32>
    %mul3A_182 = arith.constant 2 : i32
    %mul3A_183 = vector.broadcast %mul3A_182 : i32 to vector<16xi32>
    %mul3A_184 = arith.muli %mul3A_183, %get3A_178 : vector<16xi32>
    %mul3A_185 = arith.constant 2 : i32
    %mul3A_186 = vector.broadcast %mul3A_185 : i32 to vector<16xi32>
    %mul3A_187 = arith.muli %mul3A_186, %get3A_178 : vector<16xi32>
    %sub3A_188 = arith.constant 9999 : i32
    %sub3A_189 = vector.broadcast %sub3A_188 : i32 to vector<16xi32>
    %sub3A_190 = arith.subi %mul3A_187, %sub3A_189 : vector<16xi32>
    %select_n3A_191 = arith.select %lt3A_181, %mul3A_184, %sub3A_190 : vector<16xi1>, vector<16xi32>
    %swap3A_192 = arith.constant 128 : index
    %swap3A_193 = tpu.vector_load %arg6[%swap3A_192] {strides = array<i32>} : memref<10000xi32, #tpu.memory_space<vmem>>, vector<16xi32>,
    %swap3A_194 = vector.shape_cast %swap3A_193 : vector<16xi32> to vector<16xi32>
    %swap3A_195 = vector.shape_cast %select_n3A_191 : vector<16xi32> to vector<16xi32>
    tpu.vector_store %arg6[%swap3A_192], %swap3A_195 {strides = array<i32>} : memref<10000xi32, #tpu.memory_space<vmem>>, vector<16xi32>,
    %get3A_196 = arith.constant 144 : index
    %get3A_197 = tpu.vector_load %arg5[%get3A_196] {strides = array<i32>} : memref<10000xi32, #tpu.memory_space<vmem>>, vector<16xi32>,
    %get3A_198 = vector.shape_cast %get3A_197 : vector<16xi32> to vector<16xi32>
    %lt3A_199 = arith.constant 5000 : i32
    %lt3A_200 = vector.broadcast %lt3A_199 : i32 to vector<16xi32>
    %lt3A_201 = arith.cmpi slt, %get3A_198, %lt3A_200 : vector<16xi32>
    %mul3A_202 = arith.constant 2 : i32
    %mul3A_203 = vector.broadcast %mul3A_202 : i32 to vector<16xi32>
    %mul3A_204 = arith.muli %mul3A_203, %get3A_198 : vector<16xi32>
    %mul3A_205 = arith.constant 2 : i32
    %mul3A_206 = vector.broadcast %mul3A_205 : i32 to vector<16xi32>
    %mul3A_207 = arith.muli %mul3A_206, %get3A_198 : vector<16xi32>
    %sub3A_208 = arith.constant 9999 : i32
    %sub3A_209 = vector.broadcast %sub3A_208 : i32 to vector<16xi32>
    %sub3A_210 = arith.subi %mul3A_207, %sub3A_209 : vector<16xi32>
    %select_n3A_211 = arith.select %lt3A_201, %mul3A_204, %sub3A_210 : vector<16xi1>, vector<16xi32>
    %swap3A_212 = arith.constant 144 : index
    %swap3A_213 = tpu.vector_load %arg6[%swap3A_212] {strides = array<i32>} : memref<10000xi32, #tpu.memory_space<vmem>>, vector<16xi32>,
    %swap3A_214 = vector.shape_cast %swap3A_213 : vector<16xi32> to vector<16xi32>
    %swap3A_215 = vector.shape_cast %select_n3A_211 : vector<16xi32> to vector<16xi32>
    tpu.vector_store %arg6[%swap3A_212], %swap3A_215 {strides = array<i32>} : memref<10000xi32, #tpu.memory_space<vmem>>, vector<16xi32>,
    %dma_start3A_216 = arith.constant 80 : i32
    %dma_start3A_217 = tpu.memref_slice %arg6[%dma_start3A_216] : memref<10000xi32, #tpu.memory_space<vmem>> -> memref<80xi32, #tpu.memory_space<vmem>>
    %dma_start3A_218 = arith.constant 0 : i32
    %dma_start3A_219 = arith.constant 0 : i32
    %dma_start3A_220 = tpu.memref_slice %arg3[%dma_start3A_218, %dma_start3A_219] : memref<10000x64xf32, #tpu.memory_space<hbm>> -> memref<10000x64xf32, #tpu.memory_space<hbm>>
    tpu.enqueue_indirect_dma source(%dma_start3A_220 : memref<10000x64xf32, #tpu.memory_space<hbm>>) target(%arg10 : memref<80x64xf32, #tpu.memory_space<vmem>>) offsets(%dma_start3A_217 : memref<80xi32, #tpu.memory_space<vmem>>) semaphore(%arg16 : memref<!tpu.dma_semaphore, #tpu.memory_space<semaphore_mem>>)
    %get3A_221 = arith.constant 160 : index
    %get3A_222 = tpu.vector_load %arg5[%get3A_221] {strides = array<i32>} : memref<10000xi32, #tpu.memory_space<vmem>>, vector<16xi32>,
    %get3A_223 = vector.shape_cast %get3A_222 : vector<16xi32> to vector<16xi32>
    %lt3A_224 = arith.constant 5000 : i32
    %lt3A_225 = vector.broadcast %lt3A_224 : i32 to vector<16xi32>
    %lt3A_226 = arith.cmpi slt, %get3A_223, %lt3A_225 : vector<16xi32>
    %mul3A_227 = arith.constant 2 : i32
    %mul3A_228 = vector.broadcast %mul3A_227 : i32 to vector<16xi32>
    %mul3A_229 = arith.muli %mul3A_228, %get3A_223 : vector<16xi32>
    %mul3A_230 = arith.constant 2 : i32
    %mul3A_231 = vector.broadcast %mul3A_230 : i32 to vector<16xi32>
    %mul3A_232 = arith.muli %mul3A_231, %get3A_223 : vector<16xi32>
    %sub3A_233 = arith.constant 9999 : i32
    %sub3A_234 = vector.broadcast %sub3A_233 : i32 to vector<16xi32>
    %sub3A_235 = arith.subi %mul3A_232, %sub3A_234 : vector<16xi32>
    %select_n3A_236 = arith.select %lt3A_226, %mul3A_229, %sub3A_235 : vector<16xi1>, vector<16xi32>
    %swap3A_237 = arith.constant 160 : index
    %swap3A_238 = tpu.vector_load %arg6[%swap3A_237] {strides = array<i32>} : memref<10000xi32, #tpu.memory_space<vmem>>, vector<16xi32>,
    %swap3A_239 = vector.shape_cast %swap3A_238 : vector<16xi32> to vector<16xi32>
    %swap3A_240 = vector.shape_cast %select_n3A_236 : vector<16xi32> to vector<16xi32>
    tpu.vector_store %arg6[%swap3A_237], %swap3A_240 {strides = array<i32>} : memref<10000xi32, #tpu.memory_space<vmem>>, vector<16xi32>,
    %get3A_241 = arith.constant 176 : index
    %get3A_242 = tpu.vector_load %arg5[%get3A_241] {strides = array<i32>} : memref<10000xi32, #tpu.memory_space<vmem>>, vector<16xi32>,
    %get3A_243 = vector.shape_cast %get3A_242 : vector<16xi32> to vector<16xi32>
    %lt3A_244 = arith.constant 5000 : i32
    %lt3A_245 = vector.broadcast %lt3A_244 : i32 to vector<16xi32>
    %lt3A_246 = arith.cmpi slt, %get3A_243, %lt3A_245 : vector<16xi32>
    %mul3A_247 = arith.constant 2 : i32
    %mul3A_248 = vector.broadcast %mul3A_247 : i32 to vector<16xi32>
    %mul3A_249 = arith.muli %mul3A_248, %get3A_243 : vector<16xi32>
    %mul3A_250 = arith.constant 2 : i32
    %mul3A_251 = vector.broadcast %mul3A_250 : i32 to vector<16xi32>
    %mul3A_252 = arith.muli %mul3A_251, %get3A_243 : vector<16xi32>
    %sub3A_253 = arith.constant 9999 : i32
    %sub3A_254 = vector.broadcast %sub3A_253 : i32 to vector<16xi32>
    %sub3A_255 = arith.subi %mul3A_252, %sub3A_254 : vector<16xi32>
    %select_n3A_256 = arith.select %lt3A_246, %mul3A_249, %sub3A_255 : vector<16xi1>, vector<16xi32>
    %swap3A_257 = arith.constant 176 : index
    %swap3A_258 = tpu.vector_load %arg6[%swap3A_257] {strides = array<i32>} : memref<10000xi32, #tpu.memory_space<vmem>>, vector<16xi32>,
    %swap3A_259 = vector.shape_cast %swap3A_258 : vector<16xi32> to vector<16xi32>
    %swap3A_260 = vector.shape_cast %select_n3A_256 : vector<16xi32> to vector<16xi32>
    tpu.vector_store %arg6[%swap3A_257], %swap3A_260 {strides = array<i32>} : memref<10000xi32, #tpu.memory_space<vmem>>, vector<16xi32>,
    %get3A_261 = arith.constant 192 : index
    %get3A_262 = tpu.vector_load %arg5[%get3A_261] {strides = array<i32>} : memref<10000xi32, #tpu.memory_space<vmem>>, vector<16xi32>,
    %get3A_263 = vector.shape_cast %get3A_262 : vector<16xi32> to vector<16xi32>
    %lt3A_264 = arith.constant 5000 : i32
    %lt3A_265 = vector.broadcast %lt3A_264 : i32 to vector<16xi32>
    %lt3A_266 = arith.cmpi slt, %get3A_263, %lt3A_265 : vector<16xi32>
    %mul3A_267 = arith.constant 2 : i32
    %mul3A_268 = vector.broadcast %mul3A_267 : i32 to vector<16xi32>
    %mul3A_269 = arith.muli %mul3A_268, %get3A_263 : vector<16xi32>
    %mul3A_270 = arith.constant 2 : i32
    %mul3A_271 = vector.broadcast %mul3A_270 : i32 to vector<16xi32>
    %mul3A_272 = arith.muli %mul3A_271, %get3A_263 : vector<16xi32>
    %sub3A_273 = arith.constant 9999 : i32
    %sub3A_274 = vector.broadcast %sub3A_273 : i32 to vector<16xi32>
    %sub3A_275 = arith.subi %mul3A_272, %sub3A_274 : vector<16xi32>
    %select_n3A_276 = arith.select %lt3A_266, %mul3A_269, %sub3A_275 : vector<16xi1>, vector<16xi32>
    %swap3A_277 = arith.constant 192 : index
    %swap3A_278 = tpu.vector_load %arg6[%swap3A_277] {strides = array<i32>} : memref<10000xi32, #tpu.memory_space<vmem>>, vector<16xi32>,
    %swap3A_279 = vector.shape_cast %swap3A_278 : vector<16xi32> to vector<16xi32>
    %swap3A_280 = vector.shape_cast %select_n3A_276 : vector<16xi32> to vector<16xi32>
    tpu.vector_store %arg6[%swap3A_277], %swap3A_280 {strides = array<i32>} : memref<10000xi32, #tpu.memory_space<vmem>>, vector<16xi32>,
    %get3A_281 = arith.constant 208 : index
    %get3A_282 = tpu.vector_load %arg5[%get3A_281] {strides = array<i32>} : memref<10000xi32, #tpu.memory_space<vmem>>, vector<16xi32>,
    %get3A_283 = vector.shape_cast %get3A_282 : vector<16xi32> to vector<16xi32>
    %lt3A_284 = arith.constant 5000 : i32
    %lt3A_285 = vector.broadcast %lt3A_284 : i32 to vector<16xi32>
    %lt3A_286 = arith.cmpi slt, %get3A_283, %lt3A_285 : vector<16xi32>
    %mul3A_287 = arith.constant 2 : i32
    %mul3A_288 = vector.broadcast %mul3A_287 : i32 to vector<16xi32>
    %mul3A_289 = arith.muli %mul3A_288, %get3A_283 : vector<16xi32>
    %mul3A_290 = arith.constant 2 : i32
    %mul3A_291 = vector.broadcast %mul3A_290 : i32 to vector<16xi32>
    %mul3A_292 = arith.muli %mul3A_291, %get3A_283 : vector<16xi32>
    %sub3A_293 = arith.constant 9999 : i32
    %sub3A_294 = vector.broadcast %sub3A_293 : i32 to vector<16xi32>
    %sub3A_295 = arith.subi %mul3A_292, %sub3A_294 : vector<16xi32>
    %select_n3A_296 = arith.select %lt3A_286, %mul3A_289, %sub3A_295 : vector<16xi1>, vector<16xi32>
    %swap3A_297 = arith.constant 208 : index
    %swap3A_298 = tpu.vector_load %arg6[%swap3A_297] {strides = array<i32>} : memref<10000xi32, #tpu.memory_space<vmem>>, vector<16xi32>,
    %swap3A_299 = vector.shape_cast %swap3A_298 : vector<16xi32> to vector<16xi32>
    %swap3A_300 = vector.shape_cast %select_n3A_296 : vector<16xi32> to vector<16xi32>
    tpu.vector_store %arg6[%swap3A_297], %swap3A_300 {strides = array<i32>} : memref<10000xi32, #tpu.memory_space<vmem>>, vector<16xi32>,
    %get3A_301 = arith.constant 224 : index
    %get3A_302 = tpu.vector_load %arg5[%get3A_301] {strides = array<i32>} : memref<10000xi32, #tpu.memory_space<vmem>>, vector<16xi32>,
    %get3A_303 = vector.shape_cast %get3A_302 : vector<16xi32> to vector<16xi32>
    %lt3A_304 = arith.constant 5000 : i32
    %lt3A_305 = vector.broadcast %lt3A_304 : i32 to vector<16xi32>
    %lt3A_306 = arith.cmpi slt, %get3A_303, %lt3A_305 : vector<16xi32>
    %mul3A_307 = arith.constant 2 : i32
    %mul3A_308 = vector.broadcast %mul3A_307 : i32 to vector<16xi32>
    %mul3A_309 = arith.muli %mul3A_308, %get3A_303 : vector<16xi32>
    %mul3A_310 = arith.constant 2 : i32
    %mul3A_311 = vector.broadcast %mul3A_310 : i32 to vector<16xi32>
    %mul3A_312 = arith.muli %mul3A_311, %get3A_303 : vector<16xi32>
    %sub3A_313 = arith.constant 9999 : i32
    %sub3A_314 = vector.broadcast %sub3A_313 : i32 to vector<16xi32>
    %sub3A_315 = arith.subi %mul3A_312, %sub3A_314 : vector<16xi32>
    %select_n3A_316 = arith.select %lt3A_306, %mul3A_309, %sub3A_315 : vector<16xi1>, vector<16xi32>
    %swap3A_317 = arith.constant 224 : index
    %swap3A_318 = tpu.vector_load %arg6[%swap3A_317] {strides = array<i32>} : memref<10000xi32, #tpu.memory_space<vmem>>, vector<16xi32>,
    %swap3A_319 = vector.shape_cast %swap3A_318 : vector<16xi32> to vector<16xi32>
    %swap3A_320 = vector.shape_cast %select_n3A_316 : vector<16xi32> to vector<16xi32>
    tpu.vector_store %arg6[%swap3A_317], %swap3A_320 {strides = array<i32>} : memref<10000xi32, #tpu.memory_space<vmem>>, vector<16xi32>,
    %dma_start3A_321 = arith.constant 160 : i32
    %dma_start3A_322 = tpu.memref_slice %arg6[%dma_start3A_321] : memref<10000xi32, #tpu.memory_space<vmem>> -> memref<80xi32, #tpu.memory_space<vmem>>
    %dma_start3A_323 = arith.constant 0 : i32
    %dma_start3A_324 = arith.constant 0 : i32
    %dma_start3A_325 = tpu.memref_slice %arg3[%dma_start3A_323, %dma_start3A_324] : memref<10000x64xf32, #tpu.memory_space<hbm>> -> memref<10000x64xf32, #tpu.memory_space<hbm>>
    tpu.enqueue_indirect_dma source(%dma_start3A_325 : memref<10000x64xf32, #tpu.memory_space<hbm>>) target(%arg11 : memref<80x64xf32, #tpu.memory_space<vmem>>) offsets(%dma_start3A_322 : memref<80xi32, #tpu.memory_space<vmem>>) semaphore(%arg17 : memref<!tpu.dma_semaphore, #tpu.memory_space<semaphore_mem>>)
    %get3A_326 = arith.constant 240 : index
    %get3A_327 = tpu.vector_load %arg5[%get3A_326] {strides = array<i32>} : memref<10000xi32, #tpu.memory_space<vmem>>, vector<16xi32>,
    %get3A_328 = vector.shape_cast %get3A_327 : vector<16xi32> to vector<16xi32>
    %lt3A_329 = arith.constant 5000 : i32
    %lt3A_330 = vector.broadcast %lt3A_329 : i32 to vector<16xi32>
    %lt3A_331 = arith.cmpi slt, %get3A_328, %lt3A_330 : vector<16xi32>
    %mul3A_332 = arith.constant 2 : i32
    %mul3A_333 = vector.broadcast %mul3A_332 : i32 to vector<16xi32>
    %mul3A_334 = arith.muli %mul3A_333, %get3A_328 : vector<16xi32>
    %mul3A_335 = arith.constant 2 : i32
    %mul3A_336 = vector.broadcast %mul3A_335 : i32 to vector<16xi32>
    %mul3A_337 = arith.muli %mul3A_336, %get3A_328 : vector<16xi32>
    %sub3A_338 = arith.constant 9999 : i32
    %sub3A_339 = vector.broadcast %sub3A_338 : i32 to vector<16xi32>
    %sub3A_340 = arith.subi %mul3A_337, %sub3A_339 : vector<16xi32>
    %select_n3A_341 = arith.select %lt3A_331, %mul3A_334, %sub3A_340 : vector<16xi1>, vector<16xi32>
    %swap3A_342 = arith.constant 240 : index
    %swap3A_343 = tpu.vector_load %arg6[%swap3A_342] {strides = array<i32>} : memref<10000xi32, #tpu.memory_space<vmem>>, vector<16xi32>,
    %swap3A_344 = vector.shape_cast %swap3A_343 : vector<16xi32> to vector<16xi32>
    %swap3A_345 = vector.shape_cast %select_n3A_341 : vector<16xi32> to vector<16xi32>
    tpu.vector_store %arg6[%swap3A_342], %swap3A_345 {strides = array<i32>} : memref<10000xi32, #tpu.memory_space<vmem>>, vector<16xi32>,
    %get3A_346 = arith.constant 256 : index
    %get3A_347 = tpu.vector_load %arg5[%get3A_346] {strides = array<i32>} : memref<10000xi32, #tpu.memory_space<vmem>>, vector<16xi32>,
    %get3A_348 = vector.shape_cast %get3A_347 : vector<16xi32> to vector<16xi32>
    %lt3A_349 = arith.constant 5000 : i32
    %lt3A_350 = vector.broadcast %lt3A_349 : i32 to vector<16xi32>
    %lt3A_351 = arith.cmpi slt, %get3A_348, %lt3A_350 : vector<16xi32>
    %mul3A_352 = arith.constant 2 : i32
    %mul3A_353 = vector.broadcast %mul3A_352 : i32 to vector<16xi32>
    %mul3A_354 = arith.muli %mul3A_353, %get3A_348 : vector<16xi32>
    %mul3A_355 = arith.constant 2 : i32
    %mul3A_356 = vector.broadcast %mul3A_355 : i32 to vector<16xi32>
    %mul3A_357 = arith.muli %mul3A_356, %get3A_348 : vector<16xi32>
    %sub3A_358 = arith.constant 9999 : i32
    %sub3A_359 = vector.broadcast %sub3A_358 : i32 to vector<16xi32>
    %sub3A_360 = arith.subi %mul3A_357, %sub3A_359 : vector<16xi32>
    %select_n3A_361 = arith.select %lt3A_351, %mul3A_354, %sub3A_360 : vector<16xi1>, vector<16xi32>
    %swap3A_362 = arith.constant 256 : index
    %swap3A_363 = tpu.vector_load %arg6[%swap3A_362] {strides = array<i32>} : memref<10000xi32, #tpu.memory_space<vmem>>, vector<16xi32>,
    %swap3A_364 = vector.shape_cast %swap3A_363 : vector<16xi32> to vector<16xi32>
    %swap3A_365 = vector.shape_cast %select_n3A_361 : vector<16xi32> to vector<16xi32>
    tpu.vector_store %arg6[%swap3A_362], %swap3A_365 {strides = array<i32>} : memref<10000xi32, #tpu.memory_space<vmem>>, vector<16xi32>,
    %get3A_366 = arith.constant 272 : index
    %get3A_367 = tpu.vector_load %arg5[%get3A_366] {strides = array<i32>} : memref<10000xi32, #tpu.memory_space<vmem>>, vector<16xi32>,
    %get3A_368 = vector.shape_cast %get3A_367 : vector<16xi32> to vector<16xi32>
    %lt3A_369 = arith.constant 5000 : i32
    %lt3A_370 = vector.broadcast %lt3A_369 : i32 to vector<16xi32>
    %lt3A_371 = arith.cmpi slt, %get3A_368, %lt3A_370 : vector<16xi32>
    %mul3A_372 = arith.constant 2 : i32
    %mul3A_373 = vector.broadcast %mul3A_372 : i32 to vector<16xi32>
    %mul3A_374 = arith.muli %mul3A_373, %get3A_368 : vector<16xi32>
    %mul3A_375 = arith.constant 2 : i32
    %mul3A_376 = vector.broadcast %mul3A_375 : i32 to vector<16xi32>
    %mul3A_377 = arith.muli %mul3A_376, %get3A_368 : vector<16xi32>
    %sub3A_378 = arith.constant 9999 : i32
    %sub3A_379 = vector.broadcast %sub3A_378 : i32 to vector<16xi32>
    %sub3A_380 = arith.subi %mul3A_377, %sub3A_379 : vector<16xi32>
    %select_n3A_381 = arith.select %lt3A_371, %mul3A_374, %sub3A_380 : vector<16xi1>, vector<16xi32>
    %swap3A_382 = arith.constant 272 : index
    %swap3A_383 = tpu.vector_load %arg6[%swap3A_382] {strides = array<i32>} : memref<10000xi32, #tpu.memory_space<vmem>>, vector<16xi32>,
    %swap3A_384 = vector.shape_cast %swap3A_383 : vector<16xi32> to vector<16xi32>
    %swap3A_385 = vector.shape_cast %select_n3A_381 : vector<16xi32> to vector<16xi32>
    tpu.vector_store %arg6[%swap3A_382], %swap3A_385 {strides = array<i32>} : memref<10000xi32, #tpu.memory_space<vmem>>, vector<16xi32>,
    %get3A_386 = arith.constant 288 : index
    %get3A_387 = tpu.vector_load %arg5[%get3A_386] {strides = array<i32>} : memref<10000xi32, #tpu.memory_space<vmem>>, vector<16xi32>,
    %get3A_388 = vector.shape_cast %get3A_387 : vector<16xi32> to vector<16xi32>
    %lt3A_389 = arith.constant 5000 : i32
    %lt3A_390 = vector.broadcast %lt3A_389 : i32 to vector<16xi32>
    %lt3A_391 = arith.cmpi slt, %get3A_388, %lt3A_390 : vector<16xi32>
    %mul3A_392 = arith.constant 2 : i32
    %mul3A_393 = vector.broadcast %mul3A_392 : i32 to vector<16xi32>
    %mul3A_394 = arith.muli %mul3A_393, %get3A_388 : vector<16xi32>
    %mul3A_395 = arith.constant 2 : i32
    %mul3A_396 = vector.broadcast %mul3A_395 : i32 to vector<16xi32>
    %mul3A_397 = arith.muli %mul3A_396, %get3A_388 : vector<16xi32>
    %sub3A_398 = arith.constant 9999 : i32
    %sub3A_399 = vector.broadcast %sub3A_398 : i32 to vector<16xi32>
    %sub3A_400 = arith.subi %mul3A_397, %sub3A_399 : vector<16xi32>
    %select_n3A_401 = arith.select %lt3A_391, %mul3A_394, %sub3A_400 : vector<16xi1>, vector<16xi32>
    %swap3A_402 = arith.constant 288 : index
    %swap3A_403 = tpu.vector_load %arg6[%swap3A_402] {strides = array<i32>} : memref<10000xi32, #tpu.memory_space<vmem>>, vector<16xi32>,
    %swap3A_404 = vector.shape_cast %swap3A_403 : vector<16xi32> to vector<16xi32>
    %swap3A_405 = vector.shape_cast %select_n3A_401 : vector<16xi32> to vector<16xi32>
    tpu.vector_store %arg6[%swap3A_402], %swap3A_405 {strides = array<i32>} : memref<10000xi32, #tpu.memory_space<vmem>>, vector<16xi32>,
    %get3A_406 = arith.constant 304 : index
    %get3A_407 = tpu.vector_load %arg5[%get3A_406] {strides = array<i32>} : memref<10000xi32, #tpu.memory_space<vmem>>, vector<16xi32>,
    %get3A_408 = vector.shape_cast %get3A_407 : vector<16xi32> to vector<16xi32>
    %lt3A_409 = arith.constant 5000 : i32
    %lt3A_410 = vector.broadcast %lt3A_409 : i32 to vector<16xi32>
    %lt3A_411 = arith.cmpi slt, %get3A_408, %lt3A_410 : vector<16xi32>
    %mul3A_412 = arith.constant 2 : i32
    %mul3A_413 = vector.broadcast %mul3A_412 : i32 to vector<16xi32>
    %mul3A_414 = arith.muli %mul3A_413, %get3A_408 : vector<16xi32>
    %mul3A_415 = arith.constant 2 : i32
    %mul3A_416 = vector.broadcast %mul3A_415 : i32 to vector<16xi32>
    %mul3A_417 = arith.muli %mul3A_416, %get3A_408 : vector<16xi32>
    %sub3A_418 = arith.constant 9999 : i32
    %sub3A_419 = vector.broadcast %sub3A_418 : i32 to vector<16xi32>
    %sub3A_420 = arith.subi %mul3A_417, %sub3A_419 : vector<16xi32>
    %select_n3A_421 = arith.select %lt3A_411, %mul3A_414, %sub3A_420 : vector<16xi1>, vector<16xi32>
    %swap3A_422 = arith.constant 304 : index
    %swap3A_423 = tpu.vector_load %arg6[%swap3A_422] {strides = array<i32>} : memref<10000xi32, #tpu.memory_space<vmem>>, vector<16xi32>,
    %swap3A_424 = vector.shape_cast %swap3A_423 : vector<16xi32> to vector<16xi32>
    %swap3A_425 = vector.shape_cast %select_n3A_421 : vector<16xi32> to vector<16xi32>
    tpu.vector_store %arg6[%swap3A_422], %swap3A_425 {strides = array<i32>} : memref<10000xi32, #tpu.memory_space<vmem>>, vector<16xi32>,
    %dma_start3A_426 = arith.constant 240 : i32
    %dma_start3A_427 = tpu.memref_slice %arg6[%dma_start3A_426] : memref<10000xi32, #tpu.memory_space<vmem>> -> memref<80xi32, #tpu.memory_space<vmem>>
    %dma_start3A_428 = arith.constant 0 : i32
    %dma_start3A_429 = arith.constant 0 : i32
    %dma_start3A_430 = tpu.memref_slice %arg3[%dma_start3A_428, %dma_start3A_429] : memref<10000x64xf32, #tpu.memory_space<hbm>> -> memref<10000x64xf32, #tpu.memory_space<hbm>>
    tpu.enqueue_indirect_dma source(%dma_start3A_430 : memref<10000x64xf32, #tpu.memory_space<hbm>>) target(%arg12 : memref<80x64xf32, #tpu.memory_space<vmem>>) offsets(%dma_start3A_427 : memref<80xi32, #tpu.memory_space<vmem>>) semaphore(%arg18 : memref<!tpu.dma_semaphore, #tpu.memory_space<semaphore_mem>>)
    %broadcast_in_dim3A = arith.constant 0.000000e+00 : f32
    %broadcast_in_dim3A_431 = vector.broadcast %broadcast_in_dim3A : f32 to vector<16xf32>
    %scan3A = arith.constant 0 : i32
    %scan3A_432 = arith.constant 0 : i32
    %scan3A_433 = arith.constant 104 : i32
    %scan3A_434 = arith.addi %scan3A_432, %scan3A_433 : i32
    %scan3A_435 = arith.constant 1 : i32
    scf.for %scan3A_502 = %scan3A_432 to %scan3A_434 step %scan3A_435  : i32 {
      %swap3A_503 = arith.index_cast %scan3A_502 : i32 to index
      %swap3A_504 = arith.constant 0 : index
      %swap3A_505 = tpu.vector_load %arg13[%swap3A_503, %swap3A_504] {strides = array<i32>} : memref<104x64xf32, #tpu.memory_space<vmem>>, vector<1x16xf32>,
      %swap3A_506 = vector.shape_cast %swap3A_505 : vector<1x16xf32> to vector<16xf32>
      %swap3A_507 = vector.shape_cast %broadcast_in_dim3A_431 : vector<16xf32> to vector<1x16xf32>
      tpu.vector_store %arg13[%swap3A_503, %swap3A_504], %swap3A_507 {strides = array<i32>} : memref<104x64xf32, #tpu.memory_space<vmem>>, vector<1x16xf32>,
      %swap3A_508 = arith.index_cast %scan3A_502 : i32 to index
      %swap3A_509 = arith.constant 16 : index
      %swap3A_510 = tpu.vector_load %arg13[%swap3A_508, %swap3A_509] {strides = array<i32>} : memref<104x64xf32, #tpu.memory_space<vmem>>, vector<1x16xf32>,
      %swap3A_511 = vector.shape_cast %swap3A_510 : vector<1x16xf32> to vector<16xf32>
      %swap3A_512 = vector.shape_cast %broadcast_in_dim3A_431 : vector<16xf32> to vector<1x16xf32>
      tpu.vector_store %arg13[%swap3A_508, %swap3A_509], %swap3A_512 {strides = array<i32>} : memref<104x64xf32, #tpu.memory_space<vmem>>, vector<1x16xf32>,
      %swap3A_513 = arith.index_cast %scan3A_502 : i32 to index
      %swap3A_514 = arith.constant 32 : index
      %swap3A_515 = tpu.vector_load %arg13[%swap3A_513, %swap3A_514] {strides = array<i32>} : memref<104x64xf32, #tpu.memory_space<vmem>>, vector<1x16xf32>,
      %swap3A_516 = vector.shape_cast %swap3A_515 : vector<1x16xf32> to vector<16xf32>
      %swap3A_517 = vector.shape_cast %broadcast_in_dim3A_431 : vector<16xf32> to vector<1x16xf32>
      tpu.vector_store %arg13[%swap3A_513, %swap3A_514], %swap3A_517 {strides = array<i32>} : memref<104x64xf32, #tpu.memory_space<vmem>>, vector<1x16xf32>,
      %swap3A_518 = arith.index_cast %scan3A_502 : i32 to index
      %swap3A_519 = arith.constant 48 : index
      %swap3A_520 = tpu.vector_load %arg13[%swap3A_518, %swap3A_519] {strides = array<i32>} : memref<104x64xf32, #tpu.memory_space<vmem>>, vector<1x16xf32>,
      %swap3A_521 = vector.shape_cast %swap3A_520 : vector<1x16xf32> to vector<16xf32>
      %swap3A_522 = vector.shape_cast %broadcast_in_dim3A_431 : vector<16xf32> to vector<1x16xf32>
      tpu.vector_store %arg13[%swap3A_518, %swap3A_519], %swap3A_522 {strides = array<i32>} : memref<104x64xf32, #tpu.memory_space<vmem>>, vector<1x16xf32>,
    }
    %scan3A_436 = arith.constant 104 : i32
    %mul3A_437 = arith.constant 624 : i32
    %mul3A_438 = arith.muli %arg1, %mul3A_437 : i32
    %add3A_439 = arith.constant 0 : i32
    %add3A_440 = arith.addi %mul3A_438, %add3A_439 : i32
    "tpu.region"() ({
      %run_scoped3A_502 = tpu.sem_alloc : memref<!tpu.dma_semaphore, #tpu.memory_space<semaphore_mem>>
      %dma_start3A_503 = arith.constant 0 : i32
      %dma_start3A_504 = tpu.memref_slice %arg14[%add3A_440, %dma_start3A_503] : memref<10000x64xf32, #tpu.memory_space<vmem_shared>> -> memref<104x64xf32, #tpu.memory_space<vmem_shared>>
      %dma_start3A_505 = arith.constant 0 : i32
      %dma_start3A_506 = tpu.memref_slice %arg14[%add3A_440, %dma_start3A_505] : memref<10000x64xf32, #tpu.memory_space<vmem_shared>> -> memref<104x64xf32, #tpu.memory_space<vmem_shared>>
      tpu.enqueue_dma source(%arg13 : memref<104x64xf32, #tpu.memory_space<vmem>>) target(%dma_start3A_506 : memref<104x64xf32, #tpu.memory_space<vmem_shared>>) target_semaphore(%run_scoped3A_502 : memref<!tpu.dma_semaphore, #tpu.memory_space<semaphore_mem>>)
      %dma_wait3A_507 = arith.constant 0 : i32
      %dma_wait3A_508 = tpu.memref_slice %arg14[%add3A_440, %dma_wait3A_507] : memref<10000x64xf32, #tpu.memory_space<vmem_shared>> -> memref<104x64xf32, #tpu.memory_space<vmem_shared>>
      %dma_wait3A_509 = arith.constant 0 : i32
      %dma_wait3A_510 = tpu.memref_slice %arg14[%add3A_440, %dma_wait3A_509] : memref<10000x64xf32, #tpu.memory_space<vmem_shared>> -> memref<104x64xf32, #tpu.memory_space<vmem_shared>>
      tpu.wait_dma2 semaphore(%run_scoped3A_502 : memref<!tpu.dma_semaphore, #tpu.memory_space<semaphore_mem>>) src(%arg13 : memref<104x64xf32, #tpu.memory_space<vmem>>) dst(%dma_wait3A_510 : memref<104x64xf32, #tpu.memory_space<vmem_shared>>)
      tpu.yield
    }) : () -> ()
    %add3A_441 = arith.constant 104 : i32
    %add3A_442 = arith.addi %mul3A_438, %add3A_441 : i32
    "tpu.region"() ({
      %run_scoped3A_502 = tpu.sem_alloc : memref<!tpu.dma_semaphore, #tpu.memory_space<semaphore_mem>>
      %dma_start3A_503 = arith.constant 0 : i32
      %dma_start3A_504 = tpu.memref_slice %arg14[%add3A_442, %dma_start3A_503] : memref<10000x64xf32, #tpu.memory_space<vmem_shared>> -> memref<104x64xf32, #tpu.memory_space<vmem_shared>>
      %dma_start3A_505 = arith.constant 0 : i32
      %dma_start3A_506 = tpu.memref_slice %arg14[%add3A_442, %dma_start3A_505] : memref<10000x64xf32, #tpu.memory_space<vmem_shared>> -> memref<104x64xf32, #tpu.memory_space<vmem_shared>>
      tpu.enqueue_dma source(%arg13 : memref<104x64xf32, #tpu.memory_space<vmem>>) target(%dma_start3A_506 : memref<104x64xf32, #tpu.memory_space<vmem_shared>>) target_semaphore(%run_scoped3A_502 : memref<!tpu.dma_semaphore, #tpu.memory_space<semaphore_mem>>)
      %dma_wait3A_507 = arith.constant 0 : i32
      %dma_wait3A_508 = tpu.memref_slice %arg14[%add3A_442, %dma_wait3A_507] : memref<10000x64xf32, #tpu.memory_space<vmem_shared>> -> memref<104x64xf32, #tpu.memory_space<vmem_shared>>
      %dma_wait3A_509 = arith.constant 0 : i32
      %dma_wait3A_510 = tpu.memref_slice %arg14[%add3A_442, %dma_wait3A_509] : memref<10000x64xf32, #tpu.memory_space<vmem_shared>> -> memref<104x64xf32, #tpu.memory_space<vmem_shared>>
      tpu.wait_dma2 semaphore(%run_scoped3A_502 : memref<!tpu.dma_semaphore, #tpu.memory_space<semaphore_mem>>) src(%arg13 : memref<104x64xf32, #tpu.memory_space<vmem>>) dst(%dma_wait3A_510 : memref<104x64xf32, #tpu.memory_space<vmem_shared>>)
      tpu.yield
    }) : () -> ()
    %add3A_443 = arith.constant 208 : i32
    %add3A_444 = arith.addi %mul3A_438, %add3A_443 : i32
    "tpu.region"() ({
      %run_scoped3A_502 = tpu.sem_alloc : memref<!tpu.dma_semaphore, #tpu.memory_space<semaphore_mem>>
      %dma_start3A_503 = arith.constant 0 : i32
      %dma_start3A_504 = tpu.memref_slice %arg14[%add3A_444, %dma_start3A_503] : memref<10000x64xf32, #tpu.memory_space<vmem_shared>> -> memref<104x64xf32, #tpu.memory_space<vmem_shared>>
      %dma_start3A_505 = arith.constant 0 : i32
      %dma_start3A_506 = tpu.memref_slice %arg14[%add3A_444, %dma_start3A_505] : memref<10000x64xf32, #tpu.memory_space<vmem_shared>> -> memref<104x64xf32, #tpu.memory_space<vmem_shared>>
      tpu.enqueue_dma source(%arg13 : memref<104x64xf32, #tpu.memory_space<vmem>>) target(%dma_start3A_506 : memref<104x64xf32, #tpu.memory_space<vmem_shared>>) target_semaphore(%run_scoped3A_502 : memref<!tpu.dma_semaphore, #tpu.memory_space<semaphore_mem>>)
      %dma_wait3A_507 = arith.constant 0 : i32
      %dma_wait3A_508 = tpu.memref_slice %arg14[%add3A_444, %dma_wait3A_507] : memref<10000x64xf32, #tpu.memory_space<vmem_shared>> -> memref<104x64xf32, #tpu.memory_space<vmem_shared>>
      %dma_wait3A_509 = arith.constant 0 : i32
      %dma_wait3A_510 = tpu.memref_slice %arg14[%add3A_444, %dma_wait3A_509] : memref<10000x64xf32, #tpu.memory_space<vmem_shared>> -> memref<104x64xf32, #tpu.memory_space<vmem_shared>>
      tpu.wait_dma2 semaphore(%run_scoped3A_502 : memref<!tpu.dma_semaphore, #tpu.memory_space<semaphore_mem>>) src(%arg13 : memref<104x64xf32, #tpu.memory_space<vmem>>) dst(%dma_wait3A_510 : memref<104x64xf32, #tpu.memory_space<vmem_shared>>)
      tpu.yield
    }) : () -> ()
    %add3A_445 = arith.constant 312 : i32
    %add3A_446 = arith.addi %mul3A_438, %add3A_445 : i32
    "tpu.region"() ({
      %run_scoped3A_502 = tpu.sem_alloc : memref<!tpu.dma_semaphore, #tpu.memory_space<semaphore_mem>>
      %dma_start3A_503 = arith.constant 0 : i32
      %dma_start3A_504 = tpu.memref_slice %arg14[%add3A_446, %dma_start3A_503] : memref<10000x64xf32, #tpu.memory_space<vmem_shared>> -> memref<104x64xf32, #tpu.memory_space<vmem_shared>>
      %dma_start3A_505 = arith.constant 0 : i32
      %dma_start3A_506 = tpu.memref_slice %arg14[%add3A_446, %dma_start3A_505] : memref<10000x64xf32, #tpu.memory_space<vmem_shared>> -> memref<104x64xf32, #tpu.memory_space<vmem_shared>>
      tpu.enqueue_dma source(%arg13 : memref<104x64xf32, #tpu.memory_space<vmem>>) target(%dma_start3A_506 : memref<104x64xf32, #tpu.memory_space<vmem_shared>>) target_semaphore(%run_scoped3A_502 : memref<!tpu.dma_semaphore, #tpu.memory_space<semaphore_mem>>)
      %dma_wait3A_507 = arith.constant 0 : i32
      %dma_wait3A_508 = tpu.memref_slice %arg14[%add3A_446, %dma_wait3A_507] : memref<10000x64xf32, #tpu.memory_space<vmem_shared>> -> memref<104x64xf32, #tpu.memory_space<vmem_shared>>
      %dma_wait3A_509 = arith.constant 0 : i32
      %dma_wait3A_510 = tpu.memref_slice %arg14[%add3A_446, %dma_wait3A_509] : memref<10000x64xf32, #tpu.memory_space<vmem_shared>> -> memref<104x64xf32, #tpu.memory_space<vmem_shared>>
      tpu.wait_dma2 semaphore(%run_scoped3A_502 : memref<!tpu.dma_semaphore, #tpu.memory_space<semaphore_mem>>) src(%arg13 : memref<104x64xf32, #tpu.memory_space<vmem>>) dst(%dma_wait3A_510 : memref<104x64xf32, #tpu.memory_space<vmem_shared>>)
      tpu.yield
    }) : () -> ()
    %add3A_447 = arith.constant 416 : i32
    %add3A_448 = arith.addi %mul3A_438, %add3A_447 : i32
    "tpu.region"() ({
      %run_scoped3A_502 = tpu.sem_alloc : memref<!tpu.dma_semaphore, #tpu.memory_space<semaphore_mem>>
      %dma_start3A_503 = arith.constant 0 : i32
      %dma_start3A_504 = tpu.memref_slice %arg14[%add3A_448, %dma_start3A_503] : memref<10000x64xf32, #tpu.memory_space<vmem_shared>> -> memref<104x64xf32, #tpu.memory_space<vmem_shared>>
      %dma_start3A_505 = arith.constant 0 : i32
      %dma_start3A_506 = tpu.memref_slice %arg14[%add3A_448, %dma_start3A_505] : memref<10000x64xf32, #tpu.memory_space<vmem_shared>> -> memref<104x64xf32, #tpu.memory_space<vmem_shared>>
      tpu.enqueue_dma source(%arg13 : memref<104x64xf32, #tpu.memory_space<vmem>>) target(%dma_start3A_506 : memref<104x64xf32, #tpu.memory_space<vmem_shared>>) target_semaphore(%run_scoped3A_502 : memref<!tpu.dma_semaphore, #tpu.memory_space<semaphore_mem>>)
      %dma_wait3A_507 = arith.constant 0 : i32
      %dma_wait3A_508 = tpu.memref_slice %arg14[%add3A_448, %dma_wait3A_507] : memref<10000x64xf32, #tpu.memory_space<vmem_shared>> -> memref<104x64xf32, #tpu.memory_space<vmem_shared>>
      %dma_wait3A_509 = arith.constant 0 : i32
      %dma_wait3A_510 = tpu.memref_slice %arg14[%add3A_448, %dma_wait3A_509] : memref<10000x64xf32, #tpu.memory_space<vmem_shared>> -> memref<104x64xf32, #tpu.memory_space<vmem_shared>>
      tpu.wait_dma2 semaphore(%run_scoped3A_502 : memref<!tpu.dma_semaphore, #tpu.memory_space<semaphore_mem>>) src(%arg13 : memref<104x64xf32, #tpu.memory_space<vmem>>) dst(%dma_wait3A_510 : memref<104x64xf32, #tpu.memory_space<vmem_shared>>)
      tpu.yield
    }) : () -> ()
    %add3A_449 = arith.constant 520 : i32
    %add3A_450 = arith.addi %mul3A_438, %add3A_449 : i32
    "tpu.region"() ({
      %run_scoped3A_502 = tpu.sem_alloc : memref<!tpu.dma_semaphore, #tpu.memory_space<semaphore_mem>>
      %dma_start3A_503 = arith.constant 0 : i32
      %dma_start3A_504 = tpu.memref_slice %arg14[%add3A_450, %dma_start3A_503] : memref<10000x64xf32, #tpu.memory_space<vmem_shared>> -> memref<104x64xf32, #tpu.memory_space<vmem_shared>>
      %dma_start3A_505 = arith.constant 0 : i32
      %dma_start3A_506 = tpu.memref_slice %arg14[%add3A_450, %dma_start3A_505] : memref<10000x64xf32, #tpu.memory_space<vmem_shared>> -> memref<104x64xf32, #tpu.memory_space<vmem_shared>>
      tpu.enqueue_dma source(%arg13 : memref<104x64xf32, #tpu.memory_space<vmem>>) target(%dma_start3A_506 : memref<104x64xf32, #tpu.memory_space<vmem_shared>>) target_semaphore(%run_scoped3A_502 : memref<!tpu.dma_semaphore, #tpu.memory_space<semaphore_mem>>)
      %dma_wait3A_507 = arith.constant 0 : i32
      %dma_wait3A_508 = tpu.memref_slice %arg14[%add3A_450, %dma_wait3A_507] : memref<10000x64xf32, #tpu.memory_space<vmem_shared>> -> memref<104x64xf32, #tpu.memory_space<vmem_shared>>
      %dma_wait3A_509 = arith.constant 0 : i32
      %dma_wait3A_510 = tpu.memref_slice %arg14[%add3A_450, %dma_wait3A_509] : memref<10000x64xf32, #tpu.memory_space<vmem_shared>> -> memref<104x64xf32, #tpu.memory_space<vmem_shared>>
      tpu.wait_dma2 semaphore(%run_scoped3A_502 : memref<!tpu.dma_semaphore, #tpu.memory_space<semaphore_mem>>) src(%arg13 : memref<104x64xf32, #tpu.memory_space<vmem>>) dst(%dma_wait3A_510 : memref<104x64xf32, #tpu.memory_space<vmem_shared>>)
      tpu.yield
    }) : () -> ()
    %eq3A = arith.constant 15 : i32
    %eq3A_451 = arith.cmpi eq, %arg1, %eq3A : i32
    %convert_element_type3A = arith.extui %eq3A_451 : i1 to i32
    %cond3A = arith.constant 0 : i32
    %cond3A_452 = arith.cmpi ne, %convert_element_type3A, %cond3A : i32
    scf.if %cond3A_452 {
      "tpu.region"() ({
        %run_scoped3A_502 = tpu.sem_alloc : memref<!tpu.dma_semaphore, #tpu.memory_space<semaphore_mem>>
        %dma_start3A_503 = arith.constant 0 : i32
        %dma_start3A_504 = arith.constant 0 : i32
        %dma_start3A_505 = tpu.memref_slice %arg13[%dma_start3A_503, %dma_start3A_504] : memref<104x64xf32, #tpu.memory_space<vmem>> -> memref<16x64xf32, #tpu.memory_space<vmem>>
        %dma_start3A_506 = arith.constant 9984 : i32
        %dma_start3A_507 = arith.constant 0 : i32
        %dma_start3A_508 = tpu.memref_slice %arg14[%dma_start3A_506, %dma_start3A_507] : memref<10000x64xf32, #tpu.memory_space<vmem_shared>> -> memref<16x64xf32, #tpu.memory_space<vmem_shared>>
        %dma_start3A_509 = arith.constant 9984 : i32
        %dma_start3A_510 = arith.constant 0 : i32
        %dma_start3A_511 = tpu.memref_slice %arg14[%dma_start3A_509, %dma_start3A_510] : memref<10000x64xf32, #tpu.memory_space<vmem_shared>> -> memref<16x64xf32, #tpu.memory_space<vmem_shared>>
        %dma_start3A_512 = arith.constant 0 : i32
        %dma_start3A_513 = arith.constant 0 : i32
        %dma_start3A_514 = tpu.memref_slice %arg13[%dma_start3A_512, %dma_start3A_513] : memref<104x64xf32, #tpu.memory_space<vmem>> -> memref<16x64xf32, #tpu.memory_space<vmem>>
        tpu.enqueue_dma source(%dma_start3A_514 : memref<16x64xf32, #tpu.memory_space<vmem>>) target(%dma_start3A_511 : memref<16x64xf32, #tpu.memory_space<vmem_shared>>) target_semaphore(%run_scoped3A_502 : memref<!tpu.dma_semaphore, #tpu.memory_space<semaphore_mem>>)
        %dma_wait3A_515 = arith.constant 0 : i32
        %dma_wait3A_516 = arith.constant 0 : i32
        %dma_wait3A_517 = tpu.memref_slice %arg13[%dma_wait3A_515, %dma_wait3A_516] : memref<104x64xf32, #tpu.memory_space<vmem>> -> memref<16x64xf32, #tpu.memory_space<vmem>>
        %dma_wait3A_518 = arith.constant 9984 : i32
        %dma_wait3A_519 = arith.constant 0 : i32
        %dma_wait3A_520 = tpu.memref_slice %arg14[%dma_wait3A_518, %dma_wait3A_519] : memref<10000x64xf32, #tpu.memory_space<vmem_shared>> -> memref<16x64xf32, #tpu.memory_space<vmem_shared>>
        %dma_wait3A_521 = arith.constant 9984 : i32
        %dma_wait3A_522 = arith.constant 0 : i32
        %dma_wait3A_523 = tpu.memref_slice %arg14[%dma_wait3A_521, %dma_wait3A_522] : memref<10000x64xf32, #tpu.memory_space<vmem_shared>> -> memref<16x64xf32, #tpu.memory_space<vmem_shared>>
        %dma_wait3A_524 = arith.constant 0 : i32
        %dma_wait3A_525 = arith.constant 0 : i32
        %dma_wait3A_526 = tpu.memref_slice %arg13[%dma_wait3A_524, %dma_wait3A_525] : memref<104x64xf32, #tpu.memory_space<vmem>> -> memref<16x64xf32, #tpu.memory_space<vmem>>
        tpu.wait_dma2 semaphore(%run_scoped3A_502 : memref<!tpu.dma_semaphore, #tpu.memory_space<semaphore_mem>>) src(%dma_wait3A_526 : memref<16x64xf32, #tpu.memory_space<vmem>>) dst(%dma_wait3A_523 : memref<16x64xf32, #tpu.memory_space<vmem_shared>>)
        tpu.yield
      }) : () -> ()
    } else {
    }
    %dma_wait3A_453 = arith.constant 1 : i32
    %dma_wait3A_454 = tpu.memref_slice %arg2[%dma_wait3A_453, %mul3A_2] : memref<2x320000xi32, #tpu.memory_space<hbm>> -> memref<1x10000xi32, #tpu.memory_space<hbm>>
    %dma_wait3A_455 = tpu.memref_squeeze %dma_wait3A_454 : memref<1x10000xi32, #tpu.memory_space<hbm>> -> memref<10000xi32, #tpu.memory_space<hbm>>
    %dma_wait3A_456 = tpu.memref_slice %arg2[%dma_wait3A_453, %mul3A_2] : memref<2x320000xi32, #tpu.memory_space<hbm>> -> memref<1x10000xi32, #tpu.memory_space<hbm>>
    %dma_wait3A_457 = tpu.memref_squeeze %dma_wait3A_456 : memref<1x10000xi32, #tpu.memory_space<hbm>> -> memref<10000xi32, #tpu.memory_space<hbm>>
    tpu.wait_dma2 semaphore(%arg20 : memref<!tpu.dma_semaphore, #tpu.memory_space<semaphore_mem>>) src(%dma_wait3A_457 : memref<10000xi32, #tpu.memory_space<hbm>>) dst(%arg7 : memref<10000xi32, #tpu.memory_space<vmem>>)
    %scan3A_458 = arith.constant 0 : i32
    %scan3A_459 = arith.constant 0 : i32
    %scan3A_460 = arith.constant 125 : i32
    %scan3A_461 = arith.addi %scan3A_459, %scan3A_460 : i32
    %scan3A_462 = arith.constant 1 : i32
    scf.for %scan3A_502 = %scan3A_459 to %scan3A_461 step %scan3A_462  : i32 {
      %mul3A_503 = arith.constant 80 : i32
      %mul3A_504 = arith.muli %scan3A_502, %mul3A_503 : i32
      %add3A_505 = arith.constant 0 : i32
      %add3A_506 = arith.addi %mul3A_504, %add3A_505 : i32
      %get3A_507 = arith.index_cast %add3A_506 : i32 to index
      %get3A_508 = tpu.vector_load %arg7[%get3A_507] {strides = array<i32>} : memref<10000xi32, #tpu.memory_space<vmem>>, vector<16xi32>,
      %get3A_509 = vector.shape_cast %get3A_508 : vector<16xi32> to vector<16xi32>
      %swap3A_510 = arith.index_cast %scan3A_502 : i32 to index
      %swap3A_511 = arith.constant 0 : index
      %swap3A_512 = tpu.vector_load %arg8[%swap3A_510, %swap3A_511] {strides = array<i32>} : memref<125x80xi32, #tpu.memory_space<vmem>>, vector<1x16xi32>,
      %swap3A_513 = vector.shape_cast %swap3A_512 : vector<1x16xi32> to vector<16xi32>
      %swap3A_514 = vector.shape_cast %get3A_509 : vector<16xi32> to vector<1x16xi32>
      tpu.vector_store %arg8[%swap3A_510, %swap3A_511], %swap3A_514 {strides = array<i32>} : memref<125x80xi32, #tpu.memory_space<vmem>>, vector<1x16xi32>,
      %mul3A_515 = arith.constant 80 : i32
      %mul3A_516 = arith.muli %scan3A_502, %mul3A_515 : i32
      %add3A_517 = arith.constant 16 : i32
      %add3A_518 = arith.addi %mul3A_516, %add3A_517 : i32
      %get3A_519 = arith.index_cast %add3A_518 : i32 to index
      %get3A_520 = tpu.vector_load %arg7[%get3A_519] {strides = array<i32>} : memref<10000xi32, #tpu.memory_space<vmem>>, vector<16xi32>,
      %get3A_521 = vector.shape_cast %get3A_520 : vector<16xi32> to vector<16xi32>
      %swap3A_522 = arith.index_cast %scan3A_502 : i32 to index
      %swap3A_523 = arith.constant 16 : index
      %swap3A_524 = tpu.vector_load %arg8[%swap3A_522, %swap3A_523] {strides = array<i32>} : memref<125x80xi32, #tpu.memory_space<vmem>>, vector<1x16xi32>,
      %swap3A_525 = vector.shape_cast %swap3A_524 : vector<1x16xi32> to vector<16xi32>
      %swap3A_526 = vector.shape_cast %get3A_521 : vector<16xi32> to vector<1x16xi32>
      tpu.vector_store %arg8[%swap3A_522, %swap3A_523], %swap3A_526 {strides = array<i32>} : memref<125x80xi32, #tpu.memory_space<vmem>>, vector<1x16xi32>,
      %mul3A_527 = arith.constant 80 : i32
      %mul3A_528 = arith.muli %scan3A_502, %mul3A_527 : i32
      %add3A_529 = arith.constant 32 : i32
      %add3A_530 = arith.addi %mul3A_528, %add3A_529 : i32
      %get3A_531 = arith.index_cast %add3A_530 : i32 to index
      %get3A_532 = tpu.vector_load %arg7[%get3A_531] {strides = array<i32>} : memref<10000xi32, #tpu.memory_space<vmem>>, vector<16xi32>,
      %get3A_533 = vector.shape_cast %get3A_532 : vector<16xi32> to vector<16xi32>
      %swap3A_534 = arith.index_cast %scan3A_502 : i32 to index
      %swap3A_535 = arith.constant 32 : index
      %swap3A_536 = tpu.vector_load %arg8[%swap3A_534, %swap3A_535] {strides = array<i32>} : memref<125x80xi32, #tpu.memory_space<vmem>>, vector<1x16xi32>,
      %swap3A_537 = vector.shape_cast %swap3A_536 : vector<1x16xi32> to vector<16xi32>
      %swap3A_538 = vector.shape_cast %get3A_533 : vector<16xi32> to vector<1x16xi32>
      tpu.vector_store %arg8[%swap3A_534, %swap3A_535], %swap3A_538 {strides = array<i32>} : memref<125x80xi32, #tpu.memory_space<vmem>>, vector<1x16xi32>,
      %mul3A_539 = arith.constant 80 : i32
      %mul3A_540 = arith.muli %scan3A_502, %mul3A_539 : i32
      %add3A_541 = arith.constant 48 : i32
      %add3A_542 = arith.addi %mul3A_540, %add3A_541 : i32
      %get3A_543 = arith.index_cast %add3A_542 : i32 to index
      %get3A_544 = tpu.vector_load %arg7[%get3A_543] {strides = array<i32>} : memref<10000xi32, #tpu.memory_space<vmem>>, vector<16xi32>,
      %get3A_545 = vector.shape_cast %get3A_544 : vector<16xi32> to vector<16xi32>
      %swap3A_546 = arith.index_cast %scan3A_502 : i32 to index
      %swap3A_547 = arith.constant 48 : index
      %swap3A_548 = tpu.vector_load %arg8[%swap3A_546, %swap3A_547] {strides = array<i32>} : memref<125x80xi32, #tpu.memory_space<vmem>>, vector<1x16xi32>,
      %swap3A_549 = vector.shape_cast %swap3A_548 : vector<1x16xi32> to vector<16xi32>
      %swap3A_550 = vector.shape_cast %get3A_545 : vector<16xi32> to vector<1x16xi32>
      tpu.vector_store %arg8[%swap3A_546, %swap3A_547], %swap3A_550 {strides = array<i32>} : memref<125x80xi32, #tpu.memory_space<vmem>>, vector<1x16xi32>,
      %mul3A_551 = arith.constant 80 : i32
      %mul3A_552 = arith.muli %scan3A_502, %mul3A_551 : i32
      %add3A_553 = arith.constant 64 : i32
      %add3A_554 = arith.addi %mul3A_552, %add3A_553 : i32
      %get3A_555 = arith.index_cast %add3A_554 : i32 to index
      %get3A_556 = tpu.vector_load %arg7[%get3A_555] {strides = array<i32>} : memref<10000xi32, #tpu.memory_space<vmem>>, vector<16xi32>,
      %get3A_557 = vector.shape_cast %get3A_556 : vector<16xi32> to vector<16xi32>
      %swap3A_558 = arith.index_cast %scan3A_502 : i32 to index
      %swap3A_559 = arith.constant 64 : index
      %swap3A_560 = tpu.vector_load %arg8[%swap3A_558, %swap3A_559] {strides = array<i32>} : memref<125x80xi32, #tpu.memory_space<vmem>>, vector<1x16xi32>,
      %swap3A_561 = vector.shape_cast %swap3A_560 : vector<1x16xi32> to vector<16xi32>
      %swap3A_562 = vector.shape_cast %get3A_557 : vector<16xi32> to vector<1x16xi32>
      tpu.vector_store %arg8[%swap3A_558, %swap3A_559], %swap3A_562 {strides = array<i32>} : memref<125x80xi32, #tpu.memory_space<vmem>>, vector<1x16xi32>,
    }
    %scan3A_463 = arith.constant 125 : i32
    %barrier3A = arith.constant 0 : index
    tpu.barrier barrier_id(%barrier3A)
    %scan3A_464 = arith.constant 0 : i32
    %scan3A_465 = arith.constant 0 : i32
    %scan3A_466 = arith.constant 31 : i32
    %scan3A_467 = arith.addi %scan3A_465, %scan3A_466 : i32
    %scan3A_468 = arith.constant 1 : i32
    scf.for %scan3A_502 = %scan3A_465 to %scan3A_467 step %scan3A_468  : i32 {
      %mul3A_503 = arith.constant 4 : i32
      %mul3A_504 = arith.muli %mul3A_503, %scan3A_502 : i32
      %add3A_505 = arith.constant 0 : i32
      %add3A_506 = arith.addi %mul3A_504, %add3A_505 : i32
      %add3A_507 = arith.constant 4 : i32
      %add3A_508 = arith.addi %add3A_506, %add3A_507 : i32
      %lt3A_509 = arith.constant 125 : i32
      %lt3A_510 = arith.cmpi slt, %add3A_508, %lt3A_509 : i32
      %convert_element_type3A_511 = arith.extui %lt3A_510 : i1 to i32
      %cond3A_512 = arith.constant 0 : i32
      %cond3A_513 = arith.cmpi ne, %convert_element_type3A_511, %cond3A_512 : i32
      scf.if %cond3A_513 {
        %add3A_623 = arith.constant 4 : i32
        %add3A_624 = arith.addi %add3A_506, %add3A_623 : i32
        %mul3A_625 = arith.constant 80 : i32
        %mul3A_626 = arith.muli %add3A_624, %mul3A_625 : i32
        %add3A_627 = arith.constant 0 : i32
        %add3A_628 = arith.addi %mul3A_626, %add3A_627 : i32
        %get3A_629 = arith.index_cast %add3A_628 : i32 to index
        %get3A_630 = tpu.vector_load %arg5[%get3A_629] {strides = array<i32>} : memref<10000xi32, #tpu.memory_space<vmem>>, vector<16xi32>,
        %get3A_631 = vector.shape_cast %get3A_630 : vector<16xi32> to vector<16xi32>
        %lt3A_632 = arith.constant 5000 : i32
        %lt3A_633 = vector.broadcast %lt3A_632 : i32 to vector<16xi32>
        %lt3A_634 = arith.cmpi slt, %get3A_631, %lt3A_633 : vector<16xi32>
        %mul3A_635 = arith.constant 2 : i32
        %mul3A_636 = vector.broadcast %mul3A_635 : i32 to vector<16xi32>
        %mul3A_637 = arith.muli %mul3A_636, %get3A_631 : vector<16xi32>
        %mul3A_638 = arith.constant 2 : i32
        %mul3A_639 = vector.broadcast %mul3A_638 : i32 to vector<16xi32>
        %mul3A_640 = arith.muli %mul3A_639, %get3A_631 : vector<16xi32>
        %sub3A_641 = arith.constant 9999 : i32
        %sub3A_642 = vector.broadcast %sub3A_641 : i32 to vector<16xi32>
        %sub3A_643 = arith.subi %mul3A_640, %sub3A_642 : vector<16xi32>
        %select_n3A_644 = arith.select %lt3A_634, %mul3A_637, %sub3A_643 : vector<16xi1>, vector<16xi32>
        %swap3A_645 = arith.index_cast %add3A_628 : i32 to index
        %swap3A_646 = tpu.vector_load %arg6[%swap3A_645] {strides = array<i32>} : memref<10000xi32, #tpu.memory_space<vmem>>, vector<16xi32>,
        %swap3A_647 = vector.shape_cast %swap3A_646 : vector<16xi32> to vector<16xi32>
        %swap3A_648 = vector.shape_cast %select_n3A_644 : vector<16xi32> to vector<16xi32>
        tpu.vector_store %arg6[%swap3A_645], %swap3A_648 {strides = array<i32>} : memref<10000xi32, #tpu.memory_space<vmem>>, vector<16xi32>,
        %mul3A_649 = arith.constant 80 : i32
        %mul3A_650 = arith.muli %add3A_624, %mul3A_649 : i32
        %add3A_651 = arith.constant 16 : i32
        %add3A_652 = arith.addi %mul3A_650, %add3A_651 : i32
        %get3A_653 = arith.index_cast %add3A_652 : i32 to index
        %get3A_654 = tpu.vector_load %arg5[%get3A_653] {strides = array<i32>} : memref<10000xi32, #tpu.memory_space<vmem>>, vector<16xi32>,
        %get3A_655 = vector.shape_cast %get3A_654 : vector<16xi32> to vector<16xi32>
        %lt3A_656 = arith.constant 5000 : i32
        %lt3A_657 = vector.broadcast %lt3A_656 : i32 to vector<16xi32>
        %lt3A_658 = arith.cmpi slt, %get3A_655, %lt3A_657 : vector<16xi32>
        %mul3A_659 = arith.constant 2 : i32
        %mul3A_660 = vector.broadcast %mul3A_659 : i32 to vector<16xi32>
        %mul3A_661 = arith.muli %mul3A_660, %get3A_655 : vector<16xi32>
        %mul3A_662 = arith.constant 2 : i32
        %mul3A_663 = vector.broadcast %mul3A_662 : i32 to vector<16xi32>
        %mul3A_664 = arith.muli %mul3A_663, %get3A_655 : vector<16xi32>
        %sub3A_665 = arith.constant 9999 : i32
        %sub3A_666 = vector.broadcast %sub3A_665 : i32 to vector<16xi32>
        %sub3A_667 = arith.subi %mul3A_664, %sub3A_666 : vector<16xi32>
        %select_n3A_668 = arith.select %lt3A_658, %mul3A_661, %sub3A_667 : vector<16xi1>, vector<16xi32>
        %swap3A_669 = arith.index_cast %add3A_652 : i32 to index
        %swap3A_670 = tpu.vector_load %arg6[%swap3A_669] {strides = array<i32>} : memref<10000xi32, #tpu.memory_space<vmem>>, vector<16xi32>,
        %swap3A_671 = vector.shape_cast %swap3A_670 : vector<16xi32> to vector<16xi32>
        %swap3A_672 = vector.shape_cast %select_n3A_668 : vector<16xi32> to vector<16xi32>
        tpu.vector_store %arg6[%swap3A_669], %swap3A_672 {strides = array<i32>} : memref<10000xi32, #tpu.memory_space<vmem>>, vector<16xi32>,
        %mul3A_673 = arith.constant 80 : i32
        %mul3A_674 = arith.muli %add3A_624, %mul3A_673 : i32
        %add3A_675 = arith.constant 32 : i32
        %add3A_676 = arith.addi %mul3A_674, %add3A_675 : i32
        %get3A_677 = arith.index_cast %add3A_676 : i32 to index
        %get3A_678 = tpu.vector_load %arg5[%get3A_677] {strides = array<i32>} : memref<10000xi32, #tpu.memory_space<vmem>>, vector<16xi32>,
        %get3A_679 = vector.shape_cast %get3A_678 : vector<16xi32> to vector<16xi32>
        %lt3A_680 = arith.constant 5000 : i32
        %lt3A_681 = vector.broadcast %lt3A_680 : i32 to vector<16xi32>
        %lt3A_682 = arith.cmpi slt, %get3A_679, %lt3A_681 : vector<16xi32>
        %mul3A_683 = arith.constant 2 : i32
        %mul3A_684 = vector.broadcast %mul3A_683 : i32 to vector<16xi32>
        %mul3A_685 = arith.muli %mul3A_684, %get3A_679 : vector<16xi32>
        %mul3A_686 = arith.constant 2 : i32
        %mul3A_687 = vector.broadcast %mul3A_686 : i32 to vector<16xi32>
        %mul3A_688 = arith.muli %mul3A_687, %get3A_679 : vector<16xi32>
        %sub3A_689 = arith.constant 9999 : i32
        %sub3A_690 = vector.broadcast %sub3A_689 : i32 to vector<16xi32>
        %sub3A_691 = arith.subi %mul3A_688, %sub3A_690 : vector<16xi32>
        %select_n3A_692 = arith.select %lt3A_682, %mul3A_685, %sub3A_691 : vector<16xi1>, vector<16xi32>
        %swap3A_693 = arith.index_cast %add3A_676 : i32 to index
        %swap3A_694 = tpu.vector_load %arg6[%swap3A_693] {strides = array<i32>} : memref<10000xi32, #tpu.memory_space<vmem>>, vector<16xi32>,
        %swap3A_695 = vector.shape_cast %swap3A_694 : vector<16xi32> to vector<16xi32>
        %swap3A_696 = vector.shape_cast %select_n3A_692 : vector<16xi32> to vector<16xi32>
        tpu.vector_store %arg6[%swap3A_693], %swap3A_696 {strides = array<i32>} : memref<10000xi32, #tpu.memory_space<vmem>>, vector<16xi32>,
        %mul3A_697 = arith.constant 80 : i32
        %mul3A_698 = arith.muli %add3A_624, %mul3A_697 : i32
        %add3A_699 = arith.constant 48 : i32
        %add3A_700 = arith.addi %mul3A_698, %add3A_699 : i32
        %get3A_701 = arith.index_cast %add3A_700 : i32 to index
        %get3A_702 = tpu.vector_load %arg5[%get3A_701] {strides = array<i32>} : memref<10000xi32, #tpu.memory_space<vmem>>, vector<16xi32>,
        %get3A_703 = vector.shape_cast %get3A_702 : vector<16xi32> to vector<16xi32>
        %lt3A_704 = arith.constant 5000 : i32
        %lt3A_705 = vector.broadcast %lt3A_704 : i32 to vector<16xi32>
        %lt3A_706 = arith.cmpi slt, %get3A_703, %lt3A_705 : vector<16xi32>
        %mul3A_707 = arith.constant 2 : i32
        %mul3A_708 = vector.broadcast %mul3A_707 : i32 to vector<16xi32>
        %mul3A_709 = arith.muli %mul3A_708, %get3A_703 : vector<16xi32>
        %mul3A_710 = arith.constant 2 : i32
        %mul3A_711 = vector.broadcast %mul3A_710 : i32 to vector<16xi32>
        %mul3A_712 = arith.muli %mul3A_711, %get3A_703 : vector<16xi32>
        %sub3A_713 = arith.constant 9999 : i32
        %sub3A_714 = vector.broadcast %sub3A_713 : i32 to vector<16xi32>
        %sub3A_715 = arith.subi %mul3A_712, %sub3A_714 : vector<16xi32>
        %select_n3A_716 = arith.select %lt3A_706, %mul3A_709, %sub3A_715 : vector<16xi1>, vector<16xi32>
        %swap3A_717 = arith.index_cast %add3A_700 : i32 to index
        %swap3A_718 = tpu.vector_load %arg6[%swap3A_717] {strides = array<i32>} : memref<10000xi32, #tpu.memory_space<vmem>>, vector<16xi32>,
        %swap3A_719 = vector.shape_cast %swap3A_718 : vector<16xi32> to vector<16xi32>
        %swap3A_720 = vector.shape_cast %select_n3A_716 : vector<16xi32> to vector<16xi32>
        tpu.vector_store %arg6[%swap3A_717], %swap3A_720 {strides = array<i32>} : memref<10000xi32, #tpu.memory_space<vmem>>, vector<16xi32>,
        %mul3A_721 = arith.constant 80 : i32
        %mul3A_722 = arith.muli %add3A_624, %mul3A_721 : i32
        %add3A_723 = arith.constant 64 : i32
        %add3A_724 = arith.addi %mul3A_722, %add3A_723 : i32
        %get3A_725 = arith.index_cast %add3A_724 : i32 to index
        %get3A_726 = tpu.vector_load %arg5[%get3A_725] {strides = array<i32>} : memref<10000xi32, #tpu.memory_space<vmem>>, vector<16xi32>,
        %get3A_727 = vector.shape_cast %get3A_726 : vector<16xi32> to vector<16xi32>
        %lt3A_728 = arith.constant 5000 : i32
        %lt3A_729 = vector.broadcast %lt3A_728 : i32 to vector<16xi32>
        %lt3A_730 = arith.cmpi slt, %get3A_727, %lt3A_729 : vector<16xi32>
        %mul3A_731 = arith.constant 2 : i32
        %mul3A_732 = vector.broadcast %mul3A_731 : i32 to vector<16xi32>
        %mul3A_733 = arith.muli %mul3A_732, %get3A_727 : vector<16xi32>
        %mul3A_734 = arith.constant 2 : i32
        %mul3A_735 = vector.broadcast %mul3A_734 : i32 to vector<16xi32>
        %mul3A_736 = arith.muli %mul3A_735, %get3A_727 : vector<16xi32>
        %sub3A_737 = arith.constant 9999 : i32
        %sub3A_738 = vector.broadcast %sub3A_737 : i32 to vector<16xi32>
        %sub3A_739 = arith.subi %mul3A_736, %sub3A_738 : vector<16xi32>
        %select_n3A_740 = arith.select %lt3A_730, %mul3A_733, %sub3A_739 : vector<16xi1>, vector<16xi32>
        %swap3A_741 = arith.index_cast %add3A_724 : i32 to index
        %swap3A_742 = tpu.vector_load %arg6[%swap3A_741] {strides = array<i32>} : memref<10000xi32, #tpu.memory_space<vmem>>, vector<16xi32>,
        %swap3A_743 = vector.shape_cast %swap3A_742 : vector<16xi32> to vector<16xi32>
        %swap3A_744 = vector.shape_cast %select_n3A_740 : vector<16xi32> to vector<16xi32>
        tpu.vector_store %arg6[%swap3A_741], %swap3A_744 {strides = array<i32>} : memref<10000xi32, #tpu.memory_space<vmem>>, vector<16xi32>,
      } else {
      }
      %mul3A_514 = arith.constant 80 : i32
      %mul3A_515 = arith.muli %add3A_506, %mul3A_514 : i32
      %dma_wait3A_516 = tpu.memref_slice %arg6[%mul3A_515] : memref<10000xi32, #tpu.memory_space<vmem>> -> memref<80xi32, #tpu.memory_space<vmem>>
      %dma_wait3A_517 = arith.constant 0 : i32
      %dma_wait3A_518 = arith.constant 0 : i32
      %dma_wait3A_519 = tpu.memref_slice %arg3[%dma_wait3A_517, %dma_wait3A_518] : memref<10000x64xf32, #tpu.memory_space<hbm>> -> memref<10000x64xf32, #tpu.memory_space<hbm>>
      tpu.wait_indirect_dma semaphore(%arg15 : memref<!tpu.dma_semaphore, #tpu.memory_space<semaphore_mem>>) src(%dma_wait3A_519 : memref<10000x64xf32, #tpu.memory_space<hbm>>) dst(%arg9 : memref<80x64xf32, #tpu.memory_space<vmem>>)
      %dma_start3A_520 = arith.constant 0 : i32
      %dma_start3A_521 = tpu.memref_slice %arg8[%add3A_506, %dma_start3A_520] : memref<125x80xi32, #tpu.memory_space<vmem>> -> memref<1x80xi32, #tpu.memory_space<vmem>>
      %dma_start3A_522 = tpu.memref_squeeze %dma_start3A_521 : memref<1x80xi32, #tpu.memory_space<vmem>> -> memref<80xi32, #tpu.memory_space<vmem>>
      %dma_start3A_523 = arith.constant 0 : i32
      %dma_start3A_524 = arith.constant 0 : i32
      %dma_start3A_525 = tpu.memref_slice %arg14[%dma_start3A_523, %dma_start3A_524] : memref<10000x64xf32, #tpu.memory_space<vmem_shared>> -> memref<10000x64xf32, #tpu.memory_space<vmem_shared>>
      tpu.enqueue_indirect_dma source(%arg9 : memref<80x64xf32, #tpu.memory_space<vmem>>) target(%dma_start3A_525 : memref<10000x64xf32, #tpu.memory_space<vmem_shared>>) offsets(%dma_start3A_522 : memref<80xi32, #tpu.memory_space<vmem>>) semaphore(%arg19 : memref<!tpu.dma_semaphore, #tpu.memory_space<semaphore_mem>>) {add = true}
      %add3A_526 = arith.constant 4 : i32
      %add3A_527 = arith.addi %add3A_506, %add3A_526 : i32
      %lt3A_528 = arith.constant 125 : i32
      %lt3A_529 = arith.cmpi slt, %add3A_527, %lt3A_528 : i32
      %convert_element_type3A_530 = arith.extui %lt3A_529 : i1 to i32
      %cond3A_531 = arith.constant 0 : i32
      %cond3A_532 = arith.cmpi ne, %convert_element_type3A_530, %cond3A_531 : i32
      scf.if %cond3A_532 {
        %dma_wait3A_623 = arith.constant 0 : i32
        %dma_wait3A_624 = tpu.memref_slice %arg8[%add3A_506, %dma_wait3A_623] : memref<125x80xi32, #tpu.memory_space<vmem>> -> memref<1x80xi32, #tpu.memory_space<vmem>>
        %dma_wait3A_625 = tpu.memref_squeeze %dma_wait3A_624 : memref<1x80xi32, #tpu.memory_space<vmem>> -> memref<80xi32, #tpu.memory_space<vmem>>
        %dma_wait3A_626 = arith.constant 0 : i32
        %dma_wait3A_627 = arith.constant 0 : i32
        %dma_wait3A_628 = tpu.memref_slice %arg14[%dma_wait3A_626, %dma_wait3A_627] : memref<10000x64xf32, #tpu.memory_space<vmem_shared>> -> memref<10000x64xf32, #tpu.memory_space<vmem_shared>>
        tpu.wait_indirect_dma semaphore(%arg19 : memref<!tpu.dma_semaphore, #tpu.memory_space<semaphore_mem>>) src(%arg9 : memref<80x64xf32, #tpu.memory_space<vmem>>) dst(%dma_wait3A_628 : memref<10000x64xf32, #tpu.memory_space<vmem_shared>>)
        %add3A_629 = arith.constant 4 : i32
        %add3A_630 = arith.addi %add3A_506, %add3A_629 : i32
        %mul3A_631 = arith.constant 80 : i32
        %mul3A_632 = arith.muli %add3A_630, %mul3A_631 : i32
        %dma_start3A_633 = tpu.memref_slice %arg6[%mul3A_632] : memref<10000xi32, #tpu.memory_space<vmem>> -> memref<80xi32, #tpu.memory_space<vmem>>
        %dma_start3A_634 = arith.constant 0 : i32
        %dma_start3A_635 = arith.constant 0 : i32
        %dma_start3A_636 = tpu.memref_slice %arg3[%dma_start3A_634, %dma_start3A_635] : memref<10000x64xf32, #tpu.memory_space<hbm>> -> memref<10000x64xf32, #tpu.memory_space<hbm>>
        tpu.enqueue_indirect_dma source(%dma_start3A_636 : memref<10000x64xf32, #tpu.memory_space<hbm>>) target(%arg9 : memref<80x64xf32, #tpu.memory_space<vmem>>) offsets(%dma_start3A_633 : memref<80xi32, #tpu.memory_space<vmem>>) semaphore(%arg15 : memref<!tpu.dma_semaphore, #tpu.memory_space<semaphore_mem>>)
      } else {
      }
      %mul3A_533 = arith.constant 4 : i32
      %mul3A_534 = arith.muli %mul3A_533, %scan3A_502 : i32
      %add3A_535 = arith.constant 1 : i32
      %add3A_536 = arith.addi %mul3A_534, %add3A_535 : i32
      %add3A_537 = arith.constant 4 : i32
      %add3A_538 = arith.addi %add3A_536, %add3A_537 : i32
      %lt3A_539 = arith.constant 125 : i32
      %lt3A_540 = arith.cmpi slt, %add3A_538, %lt3A_539 : i32
      %convert_element_type3A_541 = arith.extui %lt3A_540 : i1 to i32
      %cond3A_542 = arith.constant 0 : i32
      %cond3A_543 = arith.cmpi ne, %convert_element_type3A_541, %cond3A_542 : i32
      scf.if %cond3A_543 {
        %add3A_623 = arith.constant 4 : i32
        %add3A_624 = arith.addi %add3A_536, %add3A_623 : i32
        %mul3A_625 = arith.constant 80 : i32
        %mul3A_626 = arith.muli %add3A_624, %mul3A_625 : i32
        %add3A_627 = arith.constant 0 : i32
        %add3A_628 = arith.addi %mul3A_626, %add3A_627 : i32
        %get3A_629 = arith.index_cast %add3A_628 : i32 to index
        %get3A_630 = tpu.vector_load %arg5[%get3A_629] {strides = array<i32>} : memref<10000xi32, #tpu.memory_space<vmem>>, vector<16xi32>,
        %get3A_631 = vector.shape_cast %get3A_630 : vector<16xi32> to vector<16xi32>
        %lt3A_632 = arith.constant 5000 : i32
        %lt3A_633 = vector.broadcast %lt3A_632 : i32 to vector<16xi32>
        %lt3A_634 = arith.cmpi slt, %get3A_631, %lt3A_633 : vector<16xi32>
        %mul3A_635 = arith.constant 2 : i32
        %mul3A_636 = vector.broadcast %mul3A_635 : i32 to vector<16xi32>
        %mul3A_637 = arith.muli %mul3A_636, %get3A_631 : vector<16xi32>
        %mul3A_638 = arith.constant 2 : i32
        %mul3A_639 = vector.broadcast %mul3A_638 : i32 to vector<16xi32>
        %mul3A_640 = arith.muli %mul3A_639, %get3A_631 : vector<16xi32>
        %sub3A_641 = arith.constant 9999 : i32
        %sub3A_642 = vector.broadcast %sub3A_641 : i32 to vector<16xi32>
        %sub3A_643 = arith.subi %mul3A_640, %sub3A_642 : vector<16xi32>
        %select_n3A_644 = arith.select %lt3A_634, %mul3A_637, %sub3A_643 : vector<16xi1>, vector<16xi32>
        %swap3A_645 = arith.index_cast %add3A_628 : i32 to index
        %swap3A_646 = tpu.vector_load %arg6[%swap3A_645] {strides = array<i32>} : memref<10000xi32, #tpu.memory_space<vmem>>, vector<16xi32>,
        %swap3A_647 = vector.shape_cast %swap3A_646 : vector<16xi32> to vector<16xi32>
        %swap3A_648 = vector.shape_cast %select_n3A_644 : vector<16xi32> to vector<16xi32>
        tpu.vector_store %arg6[%swap3A_645], %swap3A_648 {strides = array<i32>} : memref<10000xi32, #tpu.memory_space<vmem>>, vector<16xi32>,
        %mul3A_649 = arith.constant 80 : i32
        %mul3A_650 = arith.muli %add3A_624, %mul3A_649 : i32
        %add3A_651 = arith.constant 16 : i32
        %add3A_652 = arith.addi %mul3A_650, %add3A_651 : i32
        %get3A_653 = arith.index_cast %add3A_652 : i32 to index
        %get3A_654 = tpu.vector_load %arg5[%get3A_653] {strides = array<i32>} : memref<10000xi32, #tpu.memory_space<vmem>>, vector<16xi32>,
        %get3A_655 = vector.shape_cast %get3A_654 : vector<16xi32> to vector<16xi32>
        %lt3A_656 = arith.constant 5000 : i32
        %lt3A_657 = vector.broadcast %lt3A_656 : i32 to vector<16xi32>
        %lt3A_658 = arith.cmpi slt, %get3A_655, %lt3A_657 : vector<16xi32>
        %mul3A_659 = arith.constant 2 : i32
        %mul3A_660 = vector.broadcast %mul3A_659 : i32 to vector<16xi32>
        %mul3A_661 = arith.muli %mul3A_660, %get3A_655 : vector<16xi32>
        %mul3A_662 = arith.constant 2 : i32
        %mul3A_663 = vector.broadcast %mul3A_662 : i32 to vector<16xi32>
        %mul3A_664 = arith.muli %mul3A_663, %get3A_655 : vector<16xi32>
        %sub3A_665 = arith.constant 9999 : i32
        %sub3A_666 = vector.broadcast %sub3A_665 : i32 to vector<16xi32>
        %sub3A_667 = arith.subi %mul3A_664, %sub3A_666 : vector<16xi32>
        %select_n3A_668 = arith.select %lt3A_658, %mul3A_661, %sub3A_667 : vector<16xi1>, vector<16xi32>
        %swap3A_669 = arith.index_cast %add3A_652 : i32 to index
        %swap3A_670 = tpu.vector_load %arg6[%swap3A_669] {strides = array<i32>} : memref<10000xi32, #tpu.memory_space<vmem>>, vector<16xi32>,
        %swap3A_671 = vector.shape_cast %swap3A_670 : vector<16xi32> to vector<16xi32>
        %swap3A_672 = vector.shape_cast %select_n3A_668 : vector<16xi32> to vector<16xi32>
        tpu.vector_store %arg6[%swap3A_669], %swap3A_672 {strides = array<i32>} : memref<10000xi32, #tpu.memory_space<vmem>>, vector<16xi32>,
        %mul3A_673 = arith.constant 80 : i32
        %mul3A_674 = arith.muli %add3A_624, %mul3A_673 : i32
        %add3A_675 = arith.constant 32 : i32
        %add3A_676 = arith.addi %mul3A_674, %add3A_675 : i32
        %get3A_677 = arith.index_cast %add3A_676 : i32 to index
        %get3A_678 = tpu.vector_load %arg5[%get3A_677] {strides = array<i32>} : memref<10000xi32, #tpu.memory_space<vmem>>, vector<16xi32>,
        %get3A_679 = vector.shape_cast %get3A_678 : vector<16xi32> to vector<16xi32>
        %lt3A_680 = arith.constant 5000 : i32
        %lt3A_681 = vector.broadcast %lt3A_680 : i32 to vector<16xi32>
        %lt3A_682 = arith.cmpi slt, %get3A_679, %lt3A_681 : vector<16xi32>
        %mul3A_683 = arith.constant 2 : i32
        %mul3A_684 = vector.broadcast %mul3A_683 : i32 to vector<16xi32>
        %mul3A_685 = arith.muli %mul3A_684, %get3A_679 : vector<16xi32>
        %mul3A_686 = arith.constant 2 : i32
        %mul3A_687 = vector.broadcast %mul3A_686 : i32 to vector<16xi32>
        %mul3A_688 = arith.muli %mul3A_687, %get3A_679 : vector<16xi32>
        %sub3A_689 = arith.constant 9999 : i32
        %sub3A_690 = vector.broadcast %sub3A_689 : i32 to vector<16xi32>
        %sub3A_691 = arith.subi %mul3A_688, %sub3A_690 : vector<16xi32>
        %select_n3A_692 = arith.select %lt3A_682, %mul3A_685, %sub3A_691 : vector<16xi1>, vector<16xi32>
        %swap3A_693 = arith.index_cast %add3A_676 : i32 to index
        %swap3A_694 = tpu.vector_load %arg6[%swap3A_693] {strides = array<i32>} : memref<10000xi32, #tpu.memory_space<vmem>>, vector<16xi32>,
        %swap3A_695 = vector.shape_cast %swap3A_694 : vector<16xi32> to vector<16xi32>
        %swap3A_696 = vector.shape_cast %select_n3A_692 : vector<16xi32> to vector<16xi32>
        tpu.vector_store %arg6[%swap3A_693], %swap3A_696 {strides = array<i32>} : memref<10000xi32, #tpu.memory_space<vmem>>, vector<16xi32>,
        %mul3A_697 = arith.constant 80 : i32
        %mul3A_698 = arith.muli %add3A_624, %mul3A_697 : i32
        %add3A_699 = arith.constant 48 : i32
        %add3A_700 = arith.addi %mul3A_698, %add3A_699 : i32
        %get3A_701 = arith.index_cast %add3A_700 : i32 to index
        %get3A_702 = tpu.vector_load %arg5[%get3A_701] {strides = array<i32>} : memref<10000xi32, #tpu.memory_space<vmem>>, vector<16xi32>,
        %get3A_703 = vector.shape_cast %get3A_702 : vector<16xi32> to vector<16xi32>
        %lt3A_704 = arith.constant 5000 : i32
        %lt3A_705 = vector.broadcast %lt3A_704 : i32 to vector<16xi32>
        %lt3A_706 = arith.cmpi slt, %get3A_703, %lt3A_705 : vector<16xi32>
        %mul3A_707 = arith.constant 2 : i32
        %mul3A_708 = vector.broadcast %mul3A_707 : i32 to vector<16xi32>
        %mul3A_709 = arith.muli %mul3A_708, %get3A_703 : vector<16xi32>
        %mul3A_710 = arith.constant 2 : i32
        %mul3A_711 = vector.broadcast %mul3A_710 : i32 to vector<16xi32>
        %mul3A_712 = arith.muli %mul3A_711, %get3A_703 : vector<16xi32>
        %sub3A_713 = arith.constant 9999 : i32
        %sub3A_714 = vector.broadcast %sub3A_713 : i32 to vector<16xi32>
        %sub3A_715 = arith.subi %mul3A_712, %sub3A_714 : vector<16xi32>
        %select_n3A_716 = arith.select %lt3A_706, %mul3A_709, %sub3A_715 : vector<16xi1>, vector<16xi32>
        %swap3A_717 = arith.index_cast %add3A_700 : i32 to index
        %swap3A_718 = tpu.vector_load %arg6[%swap3A_717] {strides = array<i32>} : memref<10000xi32, #tpu.memory_space<vmem>>, vector<16xi32>,
        %swap3A_719 = vector.shape_cast %swap3A_718 : vector<16xi32> to vector<16xi32>
        %swap3A_720 = vector.shape_cast %select_n3A_716 : vector<16xi32> to vector<16xi32>
        tpu.vector_store %arg6[%swap3A_717], %swap3A_720 {strides = array<i32>} : memref<10000xi32, #tpu.memory_space<vmem>>, vector<16xi32>,
        %mul3A_721 = arith.constant 80 : i32
        %mul3A_722 = arith.muli %add3A_624, %mul3A_721 : i32
        %add3A_723 = arith.constant 64 : i32
        %add3A_724 = arith.addi %mul3A_722, %add3A_723 : i32
        %get3A_725 = arith.index_cast %add3A_724 : i32 to index
        %get3A_726 = tpu.vector_load %arg5[%get3A_725] {strides = array<i32>} : memref<10000xi32, #tpu.memory_space<vmem>>, vector<16xi32>,
        %get3A_727 = vector.shape_cast %get3A_726 : vector<16xi32> to vector<16xi32>
        %lt3A_728 = arith.constant 5000 : i32
        %lt3A_729 = vector.broadcast %lt3A_728 : i32 to vector<16xi32>
        %lt3A_730 = arith.cmpi slt, %get3A_727, %lt3A_729 : vector<16xi32>
        %mul3A_731 = arith.constant 2 : i32
        %mul3A_732 = vector.broadcast %mul3A_731 : i32 to vector<16xi32>
        %mul3A_733 = arith.muli %mul3A_732, %get3A_727 : vector<16xi32>
        %mul3A_734 = arith.constant 2 : i32
        %mul3A_735 = vector.broadcast %mul3A_734 : i32 to vector<16xi32>
        %mul3A_736 = arith.muli %mul3A_735, %get3A_727 : vector<16xi32>
        %sub3A_737 = arith.constant 9999 : i32
        %sub3A_738 = vector.broadcast %sub3A_737 : i32 to vector<16xi32>
        %sub3A_739 = arith.subi %mul3A_736, %sub3A_738 : vector<16xi32>
        %select_n3A_740 = arith.select %lt3A_730, %mul3A_733, %sub3A_739 : vector<16xi1>, vector<16xi32>
        %swap3A_741 = arith.index_cast %add3A_724 : i32 to index
        %swap3A_742 = tpu.vector_load %arg6[%swap3A_741] {strides = array<i32>} : memref<10000xi32, #tpu.memory_space<vmem>>, vector<16xi32>,
        %swap3A_743 = vector.shape_cast %swap3A_742 : vector<16xi32> to vector<16xi32>
        %swap3A_744 = vector.shape_cast %select_n3A_740 : vector<16xi32> to vector<16xi32>
        tpu.vector_store %arg6[%swap3A_741], %swap3A_744 {strides = array<i32>} : memref<10000xi32, #tpu.memory_space<vmem>>, vector<16xi32>,
      } else {
      }
      %mul3A_544 = arith.constant 80 : i32
      %mul3A_545 = arith.muli %add3A_536, %mul3A_544 : i32
      %dma_wait3A_546 = tpu.memref_slice %arg6[%mul3A_545] : memref<10000xi32, #tpu.memory_space<vmem>> -> memref<80xi32, #tpu.memory_space<vmem>>
      %dma_wait3A_547 = arith.constant 0 : i32
      %dma_wait3A_548 = arith.constant 0 : i32
      %dma_wait3A_549 = tpu.memref_slice %arg3[%dma_wait3A_547, %dma_wait3A_548] : memref<10000x64xf32, #tpu.memory_space<hbm>> -> memref<10000x64xf32, #tpu.memory_space<hbm>>
      tpu.wait_indirect_dma semaphore(%arg16 : memref<!tpu.dma_semaphore, #tpu.memory_space<semaphore_mem>>) src(%dma_wait3A_549 : memref<10000x64xf32, #tpu.memory_space<hbm>>) dst(%arg10 : memref<80x64xf32, #tpu.memory_space<vmem>>)
      %dma_start3A_550 = arith.constant 0 : i32
      %dma_start3A_551 = tpu.memref_slice %arg8[%add3A_536, %dma_start3A_550] : memref<125x80xi32, #tpu.memory_space<vmem>> -> memref<1x80xi32, #tpu.memory_space<vmem>>
      %dma_start3A_552 = tpu.memref_squeeze %dma_start3A_551 : memref<1x80xi32, #tpu.memory_space<vmem>> -> memref<80xi32, #tpu.memory_space<vmem>>
      %dma_start3A_553 = arith.constant 0 : i32
      %dma_start3A_554 = arith.constant 0 : i32
      %dma_start3A_555 = tpu.memref_slice %arg14[%dma_start3A_553, %dma_start3A_554] : memref<10000x64xf32, #tpu.memory_space<vmem_shared>> -> memref<10000x64xf32, #tpu.memory_space<vmem_shared>>
      tpu.enqueue_indirect_dma source(%arg10 : memref<80x64xf32, #tpu.memory_space<vmem>>) target(%dma_start3A_555 : memref<10000x64xf32, #tpu.memory_space<vmem_shared>>) offsets(%dma_start3A_552 : memref<80xi32, #tpu.memory_space<vmem>>) semaphore(%arg20 : memref<!tpu.dma_semaphore, #tpu.memory_space<semaphore_mem>>) {add = true}
      %add3A_556 = arith.constant 4 : i32
      %add3A_557 = arith.addi %add3A_536, %add3A_556 : i32
      %lt3A_558 = arith.constant 125 : i32
      %lt3A_559 = arith.cmpi slt, %add3A_557, %lt3A_558 : i32
      %convert_element_type3A_560 = arith.extui %lt3A_559 : i1 to i32
      %cond3A_561 = arith.constant 0 : i32
      %cond3A_562 = arith.cmpi ne, %convert_element_type3A_560, %cond3A_561 : i32
      scf.if %cond3A_562 {
        %dma_wait3A_623 = arith.constant 0 : i32
        %dma_wait3A_624 = tpu.memref_slice %arg8[%add3A_536, %dma_wait3A_623] : memref<125x80xi32, #tpu.memory_space<vmem>> -> memref<1x80xi32, #tpu.memory_space<vmem>>
        %dma_wait3A_625 = tpu.memref_squeeze %dma_wait3A_624 : memref<1x80xi32, #tpu.memory_space<vmem>> -> memref<80xi32, #tpu.memory_space<vmem>>
        %dma_wait3A_626 = arith.constant 0 : i32
        %dma_wait3A_627 = arith.constant 0 : i32
        %dma_wait3A_628 = tpu.memref_slice %arg14[%dma_wait3A_626, %dma_wait3A_627] : memref<10000x64xf32, #tpu.memory_space<vmem_shared>> -> memref<10000x64xf32, #tpu.memory_space<vmem_shared>>
        tpu.wait_indirect_dma semaphore(%arg20 : memref<!tpu.dma_semaphore, #tpu.memory_space<semaphore_mem>>) src(%arg10 : memref<80x64xf32, #tpu.memory_space<vmem>>) dst(%dma_wait3A_628 : memref<10000x64xf32, #tpu.memory_space<vmem_shared>>)
        %add3A_629 = arith.constant 4 : i32
        %add3A_630 = arith.addi %add3A_536, %add3A_629 : i32
        %mul3A_631 = arith.constant 80 : i32
        %mul3A_632 = arith.muli %add3A_630, %mul3A_631 : i32
        %dma_start3A_633 = tpu.memref_slice %arg6[%mul3A_632] : memref<10000xi32, #tpu.memory_space<vmem>> -> memref<80xi32, #tpu.memory_space<vmem>>
        %dma_start3A_634 = arith.constant 0 : i32
        %dma_start3A_635 = arith.constant 0 : i32
        %dma_start3A_636 = tpu.memref_slice %arg3[%dma_start3A_634, %dma_start3A_635] : memref<10000x64xf32, #tpu.memory_space<hbm>> -> memref<10000x64xf32, #tpu.memory_space<hbm>>
        tpu.enqueue_indirect_dma source(%dma_start3A_636 : memref<10000x64xf32, #tpu.memory_space<hbm>>) target(%arg10 : memref<80x64xf32, #tpu.memory_space<vmem>>) offsets(%dma_start3A_633 : memref<80xi32, #tpu.memory_space<vmem>>) semaphore(%arg16 : memref<!tpu.dma_semaphore, #tpu.memory_space<semaphore_mem>>)
      } else {
      }
      %mul3A_563 = arith.constant 4 : i32
      %mul3A_564 = arith.muli %mul3A_563, %scan3A_502 : i32
      %add3A_565 = arith.constant 2 : i32
      %add3A_566 = arith.addi %mul3A_564, %add3A_565 : i32
      %add3A_567 = arith.constant 4 : i32
      %add3A_568 = arith.addi %add3A_566, %add3A_567 : i32
      %lt3A_569 = arith.constant 125 : i32
      %lt3A_570 = arith.cmpi slt, %add3A_568, %lt3A_569 : i32
      %convert_element_type3A_571 = arith.extui %lt3A_570 : i1 to i32
      %cond3A_572 = arith.constant 0 : i32
      %cond3A_573 = arith.cmpi ne, %convert_element_type3A_571, %cond3A_572 : i32
      scf.if %cond3A_573 {
        %add3A_623 = arith.constant 4 : i32
        %add3A_624 = arith.addi %add3A_566, %add3A_623 : i32
        %mul3A_625 = arith.constant 80 : i32
        %mul3A_626 = arith.muli %add3A_624, %mul3A_625 : i32
        %add3A_627 = arith.constant 0 : i32
        %add3A_628 = arith.addi %mul3A_626, %add3A_627 : i32
        %get3A_629 = arith.index_cast %add3A_628 : i32 to index
        %get3A_630 = tpu.vector_load %arg5[%get3A_629] {strides = array<i32>} : memref<10000xi32, #tpu.memory_space<vmem>>, vector<16xi32>,
        %get3A_631 = vector.shape_cast %get3A_630 : vector<16xi32> to vector<16xi32>
        %lt3A_632 = arith.constant 5000 : i32
        %lt3A_633 = vector.broadcast %lt3A_632 : i32 to vector<16xi32>
        %lt3A_634 = arith.cmpi slt, %get3A_631, %lt3A_633 : vector<16xi32>
        %mul3A_635 = arith.constant 2 : i32
        %mul3A_636 = vector.broadcast %mul3A_635 : i32 to vector<16xi32>
        %mul3A_637 = arith.muli %mul3A_636, %get3A_631 : vector<16xi32>
        %mul3A_638 = arith.constant 2 : i32
        %mul3A_639 = vector.broadcast %mul3A_638 : i32 to vector<16xi32>
        %mul3A_640 = arith.muli %mul3A_639, %get3A_631 : vector<16xi32>
        %sub3A_641 = arith.constant 9999 : i32
        %sub3A_642 = vector.broadcast %sub3A_641 : i32 to vector<16xi32>
        %sub3A_643 = arith.subi %mul3A_640, %sub3A_642 : vector<16xi32>
        %select_n3A_644 = arith.select %lt3A_634, %mul3A_637, %sub3A_643 : vector<16xi1>, vector<16xi32>
        %swap3A_645 = arith.index_cast %add3A_628 : i32 to index
        %swap3A_646 = tpu.vector_load %arg6[%swap3A_645] {strides = array<i32>} : memref<10000xi32, #tpu.memory_space<vmem>>, vector<16xi32>,
        %swap3A_647 = vector.shape_cast %swap3A_646 : vector<16xi32> to vector<16xi32>
        %swap3A_648 = vector.shape_cast %select_n3A_644 : vector<16xi32> to vector<16xi32>
        tpu.vector_store %arg6[%swap3A_645], %swap3A_648 {strides = array<i32>} : memref<10000xi32, #tpu.memory_space<vmem>>, vector<16xi32>,
        %mul3A_649 = arith.constant 80 : i32
        %mul3A_650 = arith.muli %add3A_624, %mul3A_649 : i32
        %add3A_651 = arith.constant 16 : i32
        %add3A_652 = arith.addi %mul3A_650, %add3A_651 : i32
        %get3A_653 = arith.index_cast %add3A_652 : i32 to index
        %get3A_654 = tpu.vector_load %arg5[%get3A_653] {strides = array<i32>} : memref<10000xi32, #tpu.memory_space<vmem>>, vector<16xi32>,
        %get3A_655 = vector.shape_cast %get3A_654 : vector<16xi32> to vector<16xi32>
        %lt3A_656 = arith.constant 5000 : i32
        %lt3A_657 = vector.broadcast %lt3A_656 : i32 to vector<16xi32>
        %lt3A_658 = arith.cmpi slt, %get3A_655, %lt3A_657 : vector<16xi32>
        %mul3A_659 = arith.constant 2 : i32
        %mul3A_660 = vector.broadcast %mul3A_659 : i32 to vector<16xi32>
        %mul3A_661 = arith.muli %mul3A_660, %get3A_655 : vector<16xi32>
        %mul3A_662 = arith.constant 2 : i32
        %mul3A_663 = vector.broadcast %mul3A_662 : i32 to vector<16xi32>
        %mul3A_664 = arith.muli %mul3A_663, %get3A_655 : vector<16xi32>
        %sub3A_665 = arith.constant 9999 : i32
        %sub3A_666 = vector.broadcast %sub3A_665 : i32 to vector<16xi32>
        %sub3A_667 = arith.subi %mul3A_664, %sub3A_666 : vector<16xi32>
        %select_n3A_668 = arith.select %lt3A_658, %mul3A_661, %sub3A_667 : vector<16xi1>, vector<16xi32>
        %swap3A_669 = arith.index_cast %add3A_652 : i32 to index
        %swap3A_670 = tpu.vector_load %arg6[%swap3A_669] {strides = array<i32>} : memref<10000xi32, #tpu.memory_space<vmem>>, vector<16xi32>,
        %swap3A_671 = vector.shape_cast %swap3A_670 : vector<16xi32> to vector<16xi32>
        %swap3A_672 = vector.shape_cast %select_n3A_668 : vector<16xi32> to vector<16xi32>
        tpu.vector_store %arg6[%swap3A_669], %swap3A_672 {strides = array<i32>} : memref<10000xi32, #tpu.memory_space<vmem>>, vector<16xi32>,
        %mul3A_673 = arith.constant 80 : i32
        %mul3A_674 = arith.muli %add3A_624, %mul3A_673 : i32
        %add3A_675 = arith.constant 32 : i32
        %add3A_676 = arith.addi %mul3A_674, %add3A_675 : i32
        %get3A_677 = arith.index_cast %add3A_676 : i32 to index
        %get3A_678 = tpu.vector_load %arg5[%get3A_677] {strides = array<i32>} : memref<10000xi32, #tpu.memory_space<vmem>>, vector<16xi32>,
        %get3A_679 = vector.shape_cast %get3A_678 : vector<16xi32> to vector<16xi32>
        %lt3A_680 = arith.constant 5000 : i32
        %lt3A_681 = vector.broadcast %lt3A_680 : i32 to vector<16xi32>
        %lt3A_682 = arith.cmpi slt, %get3A_679, %lt3A_681 : vector<16xi32>
        %mul3A_683 = arith.constant 2 : i32
        %mul3A_684 = vector.broadcast %mul3A_683 : i32 to vector<16xi32>
        %mul3A_685 = arith.muli %mul3A_684, %get3A_679 : vector<16xi32>
        %mul3A_686 = arith.constant 2 : i32
        %mul3A_687 = vector.broadcast %mul3A_686 : i32 to vector<16xi32>
        %mul3A_688 = arith.muli %mul3A_687, %get3A_679 : vector<16xi32>
        %sub3A_689 = arith.constant 9999 : i32
        %sub3A_690 = vector.broadcast %sub3A_689 : i32 to vector<16xi32>
        %sub3A_691 = arith.subi %mul3A_688, %sub3A_690 : vector<16xi32>
        %select_n3A_692 = arith.select %lt3A_682, %mul3A_685, %sub3A_691 : vector<16xi1>, vector<16xi32>
        %swap3A_693 = arith.index_cast %add3A_676 : i32 to index
        %swap3A_694 = tpu.vector_load %arg6[%swap3A_693] {strides = array<i32>} : memref<10000xi32, #tpu.memory_space<vmem>>, vector<16xi32>,
        %swap3A_695 = vector.shape_cast %swap3A_694 : vector<16xi32> to vector<16xi32>
        %swap3A_696 = vector.shape_cast %select_n3A_692 : vector<16xi32> to vector<16xi32>
        tpu.vector_store %arg6[%swap3A_693], %swap3A_696 {strides = array<i32>} : memref<10000xi32, #tpu.memory_space<vmem>>, vector<16xi32>,
        %mul3A_697 = arith.constant 80 : i32
        %mul3A_698 = arith.muli %add3A_624, %mul3A_697 : i32
        %add3A_699 = arith.constant 48 : i32
        %add3A_700 = arith.addi %mul3A_698, %add3A_699 : i32
        %get3A_701 = arith.index_cast %add3A_700 : i32 to index
        %get3A_702 = tpu.vector_load %arg5[%get3A_701] {strides = array<i32>} : memref<10000xi32, #tpu.memory_space<vmem>>, vector<16xi32>,
        %get3A_703 = vector.shape_cast %get3A_702 : vector<16xi32> to vector<16xi32>
        %lt3A_704 = arith.constant 5000 : i32
        %lt3A_705 = vector.broadcast %lt3A_704 : i32 to vector<16xi32>
        %lt3A_706 = arith.cmpi slt, %get3A_703, %lt3A_705 : vector<16xi32>
        %mul3A_707 = arith.constant 2 : i32
        %mul3A_708 = vector.broadcast %mul3A_707 : i32 to vector<16xi32>
        %mul3A_709 = arith.muli %mul3A_708, %get3A_703 : vector<16xi32>
        %mul3A_710 = arith.constant 2 : i32
        %mul3A_711 = vector.broadcast %mul3A_710 : i32 to vector<16xi32>
        %mul3A_712 = arith.muli %mul3A_711, %get3A_703 : vector<16xi32>
        %sub3A_713 = arith.constant 9999 : i32
        %sub3A_714 = vector.broadcast %sub3A_713 : i32 to vector<16xi32>
        %sub3A_715 = arith.subi %mul3A_712, %sub3A_714 : vector<16xi32>
        %select_n3A_716 = arith.select %lt3A_706, %mul3A_709, %sub3A_715 : vector<16xi1>, vector<16xi32>
        %swap3A_717 = arith.index_cast %add3A_700 : i32 to index
        %swap3A_718 = tpu.vector_load %arg6[%swap3A_717] {strides = array<i32>} : memref<10000xi32, #tpu.memory_space<vmem>>, vector<16xi32>,
        %swap3A_719 = vector.shape_cast %swap3A_718 : vector<16xi32> to vector<16xi32>
        %swap3A_720 = vector.shape_cast %select_n3A_716 : vector<16xi32> to vector<16xi32>
        tpu.vector_store %arg6[%swap3A_717], %swap3A_720 {strides = array<i32>} : memref<10000xi32, #tpu.memory_space<vmem>>, vector<16xi32>,
        %mul3A_721 = arith.constant 80 : i32
        %mul3A_722 = arith.muli %add3A_624, %mul3A_721 : i32
        %add3A_723 = arith.constant 64 : i32
        %add3A_724 = arith.addi %mul3A_722, %add3A_723 : i32
        %get3A_725 = arith.index_cast %add3A_724 : i32 to index
        %get3A_726 = tpu.vector_load %arg5[%get3A_725] {strides = array<i32>} : memref<10000xi32, #tpu.memory_space<vmem>>, vector<16xi32>,
        %get3A_727 = vector.shape_cast %get3A_726 : vector<16xi32> to vector<16xi32>
        %lt3A_728 = arith.constant 5000 : i32
        %lt3A_729 = vector.broadcast %lt3A_728 : i32 to vector<16xi32>
        %lt3A_730 = arith.cmpi slt, %get3A_727, %lt3A_729 : vector<16xi32>
        %mul3A_731 = arith.constant 2 : i32
        %mul3A_732 = vector.broadcast %mul3A_731 : i32 to vector<16xi32>
        %mul3A_733 = arith.muli %mul3A_732, %get3A_727 : vector<16xi32>
        %mul3A_734 = arith.constant 2 : i32
        %mul3A_735 = vector.broadcast %mul3A_734 : i32 to vector<16xi32>
        %mul3A_736 = arith.muli %mul3A_735, %get3A_727 : vector<16xi32>
        %sub3A_737 = arith.constant 9999 : i32
        %sub3A_738 = vector.broadcast %sub3A_737 : i32 to vector<16xi32>
        %sub3A_739 = arith.subi %mul3A_736, %sub3A_738 : vector<16xi32>
        %select_n3A_740 = arith.select %lt3A_730, %mul3A_733, %sub3A_739 : vector<16xi1>, vector<16xi32>
        %swap3A_741 = arith.index_cast %add3A_724 : i32 to index
        %swap3A_742 = tpu.vector_load %arg6[%swap3A_741] {strides = array<i32>} : memref<10000xi32, #tpu.memory_space<vmem>>, vector<16xi32>,
        %swap3A_743 = vector.shape_cast %swap3A_742 : vector<16xi32> to vector<16xi32>
        %swap3A_744 = vector.shape_cast %select_n3A_740 : vector<16xi32> to vector<16xi32>
        tpu.vector_store %arg6[%swap3A_741], %swap3A_744 {strides = array<i32>} : memref<10000xi32, #tpu.memory_space<vmem>>, vector<16xi32>,
      } else {
      }
      %mul3A_574 = arith.constant 80 : i32
      %mul3A_575 = arith.muli %add3A_566, %mul3A_574 : i32
      %dma_wait3A_576 = tpu.memref_slice %arg6[%mul3A_575] : memref<10000xi32, #tpu.memory_space<vmem>> -> memref<80xi32, #tpu.memory_space<vmem>>
      %dma_wait3A_577 = arith.constant 0 : i32
      %dma_wait3A_578 = arith.constant 0 : i32
      %dma_wait3A_579 = tpu.memref_slice %arg3[%dma_wait3A_577, %dma_wait3A_578] : memref<10000x64xf32, #tpu.memory_space<hbm>> -> memref<10000x64xf32, #tpu.memory_space<hbm>>
      tpu.wait_indirect_dma semaphore(%arg17 : memref<!tpu.dma_semaphore, #tpu.memory_space<semaphore_mem>>) src(%dma_wait3A_579 : memref<10000x64xf32, #tpu.memory_space<hbm>>) dst(%arg11 : memref<80x64xf32, #tpu.memory_space<vmem>>)
      %dma_start3A_580 = arith.constant 0 : i32
      %dma_start3A_581 = tpu.memref_slice %arg8[%add3A_566, %dma_start3A_580] : memref<125x80xi32, #tpu.memory_space<vmem>> -> memref<1x80xi32, #tpu.memory_space<vmem>>
      %dma_start3A_582 = tpu.memref_squeeze %dma_start3A_581 : memref<1x80xi32, #tpu.memory_space<vmem>> -> memref<80xi32, #tpu.memory_space<vmem>>
      %dma_start3A_583 = arith.constant 0 : i32
      %dma_start3A_584 = arith.constant 0 : i32
      %dma_start3A_585 = tpu.memref_slice %arg14[%dma_start3A_583, %dma_start3A_584] : memref<10000x64xf32, #tpu.memory_space<vmem_shared>> -> memref<10000x64xf32, #tpu.memory_space<vmem_shared>>
      tpu.enqueue_indirect_dma source(%arg11 : memref<80x64xf32, #tpu.memory_space<vmem>>) target(%dma_start3A_585 : memref<10000x64xf32, #tpu.memory_space<vmem_shared>>) offsets(%dma_start3A_582 : memref<80xi32, #tpu.memory_space<vmem>>) semaphore(%arg21 : memref<!tpu.dma_semaphore, #tpu.memory_space<semaphore_mem>>) {add = true}
      %add3A_586 = arith.constant 4 : i32
      %add3A_587 = arith.addi %add3A_566, %add3A_586 : i32
      %lt3A_588 = arith.constant 125 : i32
      %lt3A_589 = arith.cmpi slt, %add3A_587, %lt3A_588 : i32
      %convert_element_type3A_590 = arith.extui %lt3A_589 : i1 to i32
      %cond3A_591 = arith.constant 0 : i32
      %cond3A_592 = arith.cmpi ne, %convert_element_type3A_590, %cond3A_591 : i32
      scf.if %cond3A_592 {
        %dma_wait3A_623 = arith.constant 0 : i32
        %dma_wait3A_624 = tpu.memref_slice %arg8[%add3A_566, %dma_wait3A_623] : memref<125x80xi32, #tpu.memory_space<vmem>> -> memref<1x80xi32, #tpu.memory_space<vmem>>
        %dma_wait3A_625 = tpu.memref_squeeze %dma_wait3A_624 : memref<1x80xi32, #tpu.memory_space<vmem>> -> memref<80xi32, #tpu.memory_space<vmem>>
        %dma_wait3A_626 = arith.constant 0 : i32
        %dma_wait3A_627 = arith.constant 0 : i32
        %dma_wait3A_628 = tpu.memref_slice %arg14[%dma_wait3A_626, %dma_wait3A_627] : memref<10000x64xf32, #tpu.memory_space<vmem_shared>> -> memref<10000x64xf32, #tpu.memory_space<vmem_shared>>
        tpu.wait_indirect_dma semaphore(%arg21 : memref<!tpu.dma_semaphore, #tpu.memory_space<semaphore_mem>>) src(%arg11 : memref<80x64xf32, #tpu.memory_space<vmem>>) dst(%dma_wait3A_628 : memref<10000x64xf32, #tpu.memory_space<vmem_shared>>)
        %add3A_629 = arith.constant 4 : i32
        %add3A_630 = arith.addi %add3A_566, %add3A_629 : i32
        %mul3A_631 = arith.constant 80 : i32
        %mul3A_632 = arith.muli %add3A_630, %mul3A_631 : i32
        %dma_start3A_633 = tpu.memref_slice %arg6[%mul3A_632] : memref<10000xi32, #tpu.memory_space<vmem>> -> memref<80xi32, #tpu.memory_space<vmem>>
        %dma_start3A_634 = arith.constant 0 : i32
        %dma_start3A_635 = arith.constant 0 : i32
        %dma_start3A_636 = tpu.memref_slice %arg3[%dma_start3A_634, %dma_start3A_635] : memref<10000x64xf32, #tpu.memory_space<hbm>> -> memref<10000x64xf32, #tpu.memory_space<hbm>>
        tpu.enqueue_indirect_dma source(%dma_start3A_636 : memref<10000x64xf32, #tpu.memory_space<hbm>>) target(%arg11 : memref<80x64xf32, #tpu.memory_space<vmem>>) offsets(%dma_start3A_633 : memref<80xi32, #tpu.memory_space<vmem>>) semaphore(%arg17 : memref<!tpu.dma_semaphore, #tpu.memory_space<semaphore_mem>>)
      } else {
      }
      %mul3A_593 = arith.constant 4 : i32
      %mul3A_594 = arith.muli %mul3A_593, %scan3A_502 : i32
      %add3A_595 = arith.constant 3 : i32
      %add3A_596 = arith.addi %mul3A_594, %add3A_595 : i32
      %add3A_597 = arith.constant 4 : i32
      %add3A_598 = arith.addi %add3A_596, %add3A_597 : i32
      %lt3A_599 = arith.constant 125 : i32
      %lt3A_600 = arith.cmpi slt, %add3A_598, %lt3A_599 : i32
      %convert_element_type3A_601 = arith.extui %lt3A_600 : i1 to i32
      %cond3A_602 = arith.constant 0 : i32
      %cond3A_603 = arith.cmpi ne, %convert_element_type3A_601, %cond3A_602 : i32
      scf.if %cond3A_603 {
        %add3A_623 = arith.constant 4 : i32
        %add3A_624 = arith.addi %add3A_596, %add3A_623 : i32
        %mul3A_625 = arith.constant 80 : i32
        %mul3A_626 = arith.muli %add3A_624, %mul3A_625 : i32
        %add3A_627 = arith.constant 0 : i32
        %add3A_628 = arith.addi %mul3A_626, %add3A_627 : i32
        %get3A_629 = arith.index_cast %add3A_628 : i32 to index
        %get3A_630 = tpu.vector_load %arg5[%get3A_629] {strides = array<i32>} : memref<10000xi32, #tpu.memory_space<vmem>>, vector<16xi32>,
        %get3A_631 = vector.shape_cast %get3A_630 : vector<16xi32> to vector<16xi32>
        %lt3A_632 = arith.constant 5000 : i32
        %lt3A_633 = vector.broadcast %lt3A_632 : i32 to vector<16xi32>
        %lt3A_634 = arith.cmpi slt, %get3A_631, %lt3A_633 : vector<16xi32>
        %mul3A_635 = arith.constant 2 : i32
        %mul3A_636 = vector.broadcast %mul3A_635 : i32 to vector<16xi32>
        %mul3A_637 = arith.muli %mul3A_636, %get3A_631 : vector<16xi32>
        %mul3A_638 = arith.constant 2 : i32
        %mul3A_639 = vector.broadcast %mul3A_638 : i32 to vector<16xi32>
        %mul3A_640 = arith.muli %mul3A_639, %get3A_631 : vector<16xi32>
        %sub3A_641 = arith.constant 9999 : i32
        %sub3A_642 = vector.broadcast %sub3A_641 : i32 to vector<16xi32>
        %sub3A_643 = arith.subi %mul3A_640, %sub3A_642 : vector<16xi32>
        %select_n3A_644 = arith.select %lt3A_634, %mul3A_637, %sub3A_643 : vector<16xi1>, vector<16xi32>
        %swap3A_645 = arith.index_cast %add3A_628 : i32 to index
        %swap3A_646 = tpu.vector_load %arg6[%swap3A_645] {strides = array<i32>} : memref<10000xi32, #tpu.memory_space<vmem>>, vector<16xi32>,
        %swap3A_647 = vector.shape_cast %swap3A_646 : vector<16xi32> to vector<16xi32>
        %swap3A_648 = vector.shape_cast %select_n3A_644 : vector<16xi32> to vector<16xi32>
        tpu.vector_store %arg6[%swap3A_645], %swap3A_648 {strides = array<i32>} : memref<10000xi32, #tpu.memory_space<vmem>>, vector<16xi32>,
        %mul3A_649 = arith.constant 80 : i32
        %mul3A_650 = arith.muli %add3A_624, %mul3A_649 : i32
        %add3A_651 = arith.constant 16 : i32
        %add3A_652 = arith.addi %mul3A_650, %add3A_651 : i32
        %get3A_653 = arith.index_cast %add3A_652 : i32 to index
        %get3A_654 = tpu.vector_load %arg5[%get3A_653] {strides = array<i32>} : memref<10000xi32, #tpu.memory_space<vmem>>, vector<16xi32>,
        %get3A_655 = vector.shape_cast %get3A_654 : vector<16xi32> to vector<16xi32>
        %lt3A_656 = arith.constant 5000 : i32
        %lt3A_657 = vector.broadcast %lt3A_656 : i32 to vector<16xi32>
        %lt3A_658 = arith.cmpi slt, %get3A_655, %lt3A_657 : vector<16xi32>
        %mul3A_659 = arith.constant 2 : i32
        %mul3A_660 = vector.broadcast %mul3A_659 : i32 to vector<16xi32>
        %mul3A_661 = arith.muli %mul3A_660, %get3A_655 : vector<16xi32>
        %mul3A_662 = arith.constant 2 : i32
        %mul3A_663 = vector.broadcast %mul3A_662 : i32 to vector<16xi32>
        %mul3A_664 = arith.muli %mul3A_663, %get3A_655 : vector<16xi32>
        %sub3A_665 = arith.constant 9999 : i32
        %sub3A_666 = vector.broadcast %sub3A_665 : i32 to vector<16xi32>
        %sub3A_667 = arith.subi %mul3A_664, %sub3A_666 : vector<16xi32>
        %select_n3A_668 = arith.select %lt3A_658, %mul3A_661, %sub3A_667 : vector<16xi1>, vector<16xi32>
        %swap3A_669 = arith.index_cast %add3A_652 : i32 to index
        %swap3A_670 = tpu.vector_load %arg6[%swap3A_669] {strides = array<i32>} : memref<10000xi32, #tpu.memory_space<vmem>>, vector<16xi32>,
        %swap3A_671 = vector.shape_cast %swap3A_670 : vector<16xi32> to vector<16xi32>
        %swap3A_672 = vector.shape_cast %select_n3A_668 : vector<16xi32> to vector<16xi32>
        tpu.vector_store %arg6[%swap3A_669], %swap3A_672 {strides = array<i32>} : memref<10000xi32, #tpu.memory_space<vmem>>, vector<16xi32>,
        %mul3A_673 = arith.constant 80 : i32
        %mul3A_674 = arith.muli %add3A_624, %mul3A_673 : i32
        %add3A_675 = arith.constant 32 : i32
        %add3A_676 = arith.addi %mul3A_674, %add3A_675 : i32
        %get3A_677 = arith.index_cast %add3A_676 : i32 to index
        %get3A_678 = tpu.vector_load %arg5[%get3A_677] {strides = array<i32>} : memref<10000xi32, #tpu.memory_space<vmem>>, vector<16xi32>,
        %get3A_679 = vector.shape_cast %get3A_678 : vector<16xi32> to vector<16xi32>
        %lt3A_680 = arith.constant 5000 : i32
        %lt3A_681 = vector.broadcast %lt3A_680 : i32 to vector<16xi32>
        %lt3A_682 = arith.cmpi slt, %get3A_679, %lt3A_681 : vector<16xi32>
        %mul3A_683 = arith.constant 2 : i32
        %mul3A_684 = vector.broadcast %mul3A_683 : i32 to vector<16xi32>
        %mul3A_685 = arith.muli %mul3A_684, %get3A_679 : vector<16xi32>
        %mul3A_686 = arith.constant 2 : i32
        %mul3A_687 = vector.broadcast %mul3A_686 : i32 to vector<16xi32>
        %mul3A_688 = arith.muli %mul3A_687, %get3A_679 : vector<16xi32>
        %sub3A_689 = arith.constant 9999 : i32
        %sub3A_690 = vector.broadcast %sub3A_689 : i32 to vector<16xi32>
        %sub3A_691 = arith.subi %mul3A_688, %sub3A_690 : vector<16xi32>
        %select_n3A_692 = arith.select %lt3A_682, %mul3A_685, %sub3A_691 : vector<16xi1>, vector<16xi32>
        %swap3A_693 = arith.index_cast %add3A_676 : i32 to index
        %swap3A_694 = tpu.vector_load %arg6[%swap3A_693] {strides = array<i32>} : memref<10000xi32, #tpu.memory_space<vmem>>, vector<16xi32>,
        %swap3A_695 = vector.shape_cast %swap3A_694 : vector<16xi32> to vector<16xi32>
        %swap3A_696 = vector.shape_cast %select_n3A_692 : vector<16xi32> to vector<16xi32>
        tpu.vector_store %arg6[%swap3A_693], %swap3A_696 {strides = array<i32>} : memref<10000xi32, #tpu.memory_space<vmem>>, vector<16xi32>,
        %mul3A_697 = arith.constant 80 : i32
        %mul3A_698 = arith.muli %add3A_624, %mul3A_697 : i32
        %add3A_699 = arith.constant 48 : i32
        %add3A_700 = arith.addi %mul3A_698, %add3A_699 : i32
        %get3A_701 = arith.index_cast %add3A_700 : i32 to index
        %get3A_702 = tpu.vector_load %arg5[%get3A_701] {strides = array<i32>} : memref<10000xi32, #tpu.memory_space<vmem>>, vector<16xi32>,
        %get3A_703 = vector.shape_cast %get3A_702 : vector<16xi32> to vector<16xi32>
        %lt3A_704 = arith.constant 5000 : i32
        %lt3A_705 = vector.broadcast %lt3A_704 : i32 to vector<16xi32>
        %lt3A_706 = arith.cmpi slt, %get3A_703, %lt3A_705 : vector<16xi32>
        %mul3A_707 = arith.constant 2 : i32
        %mul3A_708 = vector.broadcast %mul3A_707 : i32 to vector<16xi32>
        %mul3A_709 = arith.muli %mul3A_708, %get3A_703 : vector<16xi32>
        %mul3A_710 = arith.constant 2 : i32
        %mul3A_711 = vector.broadcast %mul3A_710 : i32 to vector<16xi32>
        %mul3A_712 = arith.muli %mul3A_711, %get3A_703 : vector<16xi32>
        %sub3A_713 = arith.constant 9999 : i32
        %sub3A_714 = vector.broadcast %sub3A_713 : i32 to vector<16xi32>
        %sub3A_715 = arith.subi %mul3A_712, %sub3A_714 : vector<16xi32>
        %select_n3A_716 = arith.select %lt3A_706, %mul3A_709, %sub3A_715 : vector<16xi1>, vector<16xi32>
        %swap3A_717 = arith.index_cast %add3A_700 : i32 to index
        %swap3A_718 = tpu.vector_load %arg6[%swap3A_717] {strides = array<i32>} : memref<10000xi32, #tpu.memory_space<vmem>>, vector<16xi32>,
        %swap3A_719 = vector.shape_cast %swap3A_718 : vector<16xi32> to vector<16xi32>
        %swap3A_720 = vector.shape_cast %select_n3A_716 : vector<16xi32> to vector<16xi32>
        tpu.vector_store %arg6[%swap3A_717], %swap3A_720 {strides = array<i32>} : memref<10000xi32, #tpu.memory_space<vmem>>, vector<16xi32>,
        %mul3A_721 = arith.constant 80 : i32
        %mul3A_722 = arith.muli %add3A_624, %mul3A_721 : i32
        %add3A_723 = arith.constant 64 : i32
        %add3A_724 = arith.addi %mul3A_722, %add3A_723 : i32
        %get3A_725 = arith.index_cast %add3A_724 : i32 to index
        %get3A_726 = tpu.vector_load %arg5[%get3A_725] {strides = array<i32>} : memref<10000xi32, #tpu.memory_space<vmem>>, vector<16xi32>,
        %get3A_727 = vector.shape_cast %get3A_726 : vector<16xi32> to vector<16xi32>
        %lt3A_728 = arith.constant 5000 : i32
        %lt3A_729 = vector.broadcast %lt3A_728 : i32 to vector<16xi32>
        %lt3A_730 = arith.cmpi slt, %get3A_727, %lt3A_729 : vector<16xi32>
        %mul3A_731 = arith.constant 2 : i32
        %mul3A_732 = vector.broadcast %mul3A_731 : i32 to vector<16xi32>
        %mul3A_733 = arith.muli %mul3A_732, %get3A_727 : vector<16xi32>
        %mul3A_734 = arith.constant 2 : i32
        %mul3A_735 = vector.broadcast %mul3A_734 : i32 to vector<16xi32>
        %mul3A_736 = arith.muli %mul3A_735, %get3A_727 : vector<16xi32>
        %sub3A_737 = arith.constant 9999 : i32
        %sub3A_738 = vector.broadcast %sub3A_737 : i32 to vector<16xi32>
        %sub3A_739 = arith.subi %mul3A_736, %sub3A_738 : vector<16xi32>
        %select_n3A_740 = arith.select %lt3A_730, %mul3A_733, %sub3A_739 : vector<16xi1>, vector<16xi32>
        %swap3A_741 = arith.index_cast %add3A_724 : i32 to index
        %swap3A_742 = tpu.vector_load %arg6[%swap3A_741] {strides = array<i32>} : memref<10000xi32, #tpu.memory_space<vmem>>, vector<16xi32>,
        %swap3A_743 = vector.shape_cast %swap3A_742 : vector<16xi32> to vector<16xi32>
        %swap3A_744 = vector.shape_cast %select_n3A_740 : vector<16xi32> to vector<16xi32>
        tpu.vector_store %arg6[%swap3A_741], %swap3A_744 {strides = array<i32>} : memref<10000xi32, #tpu.memory_space<vmem>>, vector<16xi32>,
      } else {
      }
      %mul3A_604 = arith.constant 80 : i32
      %mul3A_605 = arith.muli %add3A_596, %mul3A_604 : i32
      %dma_wait3A_606 = tpu.memref_slice %arg6[%mul3A_605] : memref<10000xi32, #tpu.memory_space<vmem>> -> memref<80xi32, #tpu.memory_space<vmem>>
      %dma_wait3A_607 = arith.constant 0 : i32
      %dma_wait3A_608 = arith.constant 0 : i32
      %dma_wait3A_609 = tpu.memref_slice %arg3[%dma_wait3A_607, %dma_wait3A_608] : memref<10000x64xf32, #tpu.memory_space<hbm>> -> memref<10000x64xf32, #tpu.memory_space<hbm>>
      tpu.wait_indirect_dma semaphore(%arg18 : memref<!tpu.dma_semaphore, #tpu.memory_space<semaphore_mem>>) src(%dma_wait3A_609 : memref<10000x64xf32, #tpu.memory_space<hbm>>) dst(%arg12 : memref<80x64xf32, #tpu.memory_space<vmem>>)
      %dma_start3A_610 = arith.constant 0 : i32
      %dma_start3A_611 = tpu.memref_slice %arg8[%add3A_596, %dma_start3A_610] : memref<125x80xi32, #tpu.memory_space<vmem>> -> memref<1x80xi32, #tpu.memory_space<vmem>>
      %dma_start3A_612 = tpu.memref_squeeze %dma_start3A_611 : memref<1x80xi32, #tpu.memory_space<vmem>> -> memref<80xi32, #tpu.memory_space<vmem>>
      %dma_start3A_613 = arith.constant 0 : i32
      %dma_start3A_614 = arith.constant 0 : i32
      %dma_start3A_615 = tpu.memref_slice %arg14[%dma_start3A_613, %dma_start3A_614] : memref<10000x64xf32, #tpu.memory_space<vmem_shared>> -> memref<10000x64xf32, #tpu.memory_space<vmem_shared>>
      tpu.enqueue_indirect_dma source(%arg12 : memref<80x64xf32, #tpu.memory_space<vmem>>) target(%dma_start3A_615 : memref<10000x64xf32, #tpu.memory_space<vmem_shared>>) offsets(%dma_start3A_612 : memref<80xi32, #tpu.memory_space<vmem>>) semaphore(%arg22 : memref<!tpu.dma_semaphore, #tpu.memory_space<semaphore_mem>>) {add = true}
      %add3A_616 = arith.constant 4 : i32
      %add3A_617 = arith.addi %add3A_596, %add3A_616 : i32
      %lt3A_618 = arith.constant 125 : i32
      %lt3A_619 = arith.cmpi slt, %add3A_617, %lt3A_618 : i32
      %convert_element_type3A_620 = arith.extui %lt3A_619 : i1 to i32
      %cond3A_621 = arith.constant 0 : i32
      %cond3A_622 = arith.cmpi ne, %convert_element_type3A_620, %cond3A_621 : i32
      scf.if %cond3A_622 {
        %dma_wait3A_623 = arith.constant 0 : i32
        %dma_wait3A_624 = tpu.memref_slice %arg8[%add3A_596, %dma_wait3A_623] : memref<125x80xi32, #tpu.memory_space<vmem>> -> memref<1x80xi32, #tpu.memory_space<vmem>>
        %dma_wait3A_625 = tpu.memref_squeeze %dma_wait3A_624 : memref<1x80xi32, #tpu.memory_space<vmem>> -> memref<80xi32, #tpu.memory_space<vmem>>
        %dma_wait3A_626 = arith.constant 0 : i32
        %dma_wait3A_627 = arith.constant 0 : i32
        %dma_wait3A_628 = tpu.memref_slice %arg14[%dma_wait3A_626, %dma_wait3A_627] : memref<10000x64xf32, #tpu.memory_space<vmem_shared>> -> memref<10000x64xf32, #tpu.memory_space<vmem_shared>>
        tpu.wait_indirect_dma semaphore(%arg22 : memref<!tpu.dma_semaphore, #tpu.memory_space<semaphore_mem>>) src(%arg12 : memref<80x64xf32, #tpu.memory_space<vmem>>) dst(%dma_wait3A_628 : memref<10000x64xf32, #tpu.memory_space<vmem_shared>>)
        %add3A_629 = arith.constant 4 : i32
        %add3A_630 = arith.addi %add3A_596, %add3A_629 : i32
        %mul3A_631 = arith.constant 80 : i32
        %mul3A_632 = arith.muli %add3A_630, %mul3A_631 : i32
        %dma_start3A_633 = tpu.memref_slice %arg6[%mul3A_632] : memref<10000xi32, #tpu.memory_space<vmem>> -> memref<80xi32, #tpu.memory_space<vmem>>
        %dma_start3A_634 = arith.constant 0 : i32
        %dma_start3A_635 = arith.constant 0 : i32
        %dma_start3A_636 = tpu.memref_slice %arg3[%dma_start3A_634, %dma_start3A_635] : memref<10000x64xf32, #tpu.memory_space<hbm>> -> memref<10000x64xf32, #tpu.memory_space<hbm>>
        tpu.enqueue_indirect_dma source(%dma_start3A_636 : memref<10000x64xf32, #tpu.memory_space<hbm>>) target(%arg12 : memref<80x64xf32, #tpu.memory_space<vmem>>) offsets(%dma_start3A_633 : memref<80xi32, #tpu.memory_space<vmem>>) semaphore(%arg18 : memref<!tpu.dma_semaphore, #tpu.memory_space<semaphore_mem>>)
      } else {
      }
    }
    %scan3A_469 = arith.constant 31 : i32
    %dma_wait3A_470 = arith.constant 9920 : i32
    %dma_wait3A_471 = tpu.memref_slice %arg6[%dma_wait3A_470] : memref<10000xi32, #tpu.memory_space<vmem>> -> memref<80xi32, #tpu.memory_space<vmem>>
    %dma_wait3A_472 = arith.constant 0 : i32
    %dma_wait3A_473 = arith.constant 0 : i32
    %dma_wait3A_474 = tpu.memref_slice %arg3[%dma_wait3A_472, %dma_wait3A_473] : memref<10000x64xf32, #tpu.memory_space<hbm>> -> memref<10000x64xf32, #tpu.memory_space<hbm>>
    tpu.wait_indirect_dma semaphore(%arg15 : memref<!tpu.dma_semaphore, #tpu.memory_space<semaphore_mem>>) src(%dma_wait3A_474 : memref<10000x64xf32, #tpu.memory_space<hbm>>) dst(%arg9 : memref<80x64xf32, #tpu.memory_space<vmem>>)
    %run_scoped3A = arith.constant 124 : i32
    "tpu.region"() ({
      %run_scoped3A_502 = tpu.sem_alloc : memref<!tpu.dma_semaphore, #tpu.memory_space<semaphore_mem>>
      %dma_start3A_503 = arith.constant 0 : i32
      %dma_start3A_504 = tpu.memref_slice %arg8[%run_scoped3A, %dma_start3A_503] : memref<125x80xi32, #tpu.memory_space<vmem>> -> memref<1x80xi32, #tpu.memory_space<vmem>>
      %dma_start3A_505 = tpu.memref_squeeze %dma_start3A_504 : memref<1x80xi32, #tpu.memory_space<vmem>> -> memref<80xi32, #tpu.memory_space<vmem>>
      %dma_start3A_506 = arith.constant 0 : i32
      %dma_start3A_507 = arith.constant 0 : i32
      %dma_start3A_508 = tpu.memref_slice %arg14[%dma_start3A_506, %dma_start3A_507] : memref<10000x64xf32, #tpu.memory_space<vmem_shared>> -> memref<10000x64xf32, #tpu.memory_space<vmem_shared>>
      tpu.enqueue_indirect_dma source(%arg9 : memref<80x64xf32, #tpu.memory_space<vmem>>) target(%dma_start3A_508 : memref<10000x64xf32, #tpu.memory_space<vmem_shared>>) offsets(%dma_start3A_505 : memref<80xi32, #tpu.memory_space<vmem>>) semaphore(%run_scoped3A_502 : memref<!tpu.dma_semaphore, #tpu.memory_space<semaphore_mem>>) {add = true}
      %dma_wait3A_509 = arith.constant 0 : i32
      %dma_wait3A_510 = tpu.memref_slice %arg8[%run_scoped3A, %dma_wait3A_509] : memref<125x80xi32, #tpu.memory_space<vmem>> -> memref<1x80xi32, #tpu.memory_space<vmem>>
      %dma_wait3A_511 = tpu.memref_squeeze %dma_wait3A_510 : memref<1x80xi32, #tpu.memory_space<vmem>> -> memref<80xi32, #tpu.memory_space<vmem>>
      %dma_wait3A_512 = arith.constant 0 : i32
      %dma_wait3A_513 = arith.constant 0 : i32
      %dma_wait3A_514 = tpu.memref_slice %arg14[%dma_wait3A_512, %dma_wait3A_513] : memref<10000x64xf32, #tpu.memory_space<vmem_shared>> -> memref<10000x64xf32, #tpu.memory_space<vmem_shared>>
      tpu.wait_indirect_dma semaphore(%run_scoped3A_502 : memref<!tpu.dma_semaphore, #tpu.memory_space<semaphore_mem>>) src(%arg9 : memref<80x64xf32, #tpu.memory_space<vmem>>) dst(%dma_wait3A_514 : memref<10000x64xf32, #tpu.memory_space<vmem_shared>>)
      tpu.yield
    }) : () -> ()
    %dma_wait3A_475 = arith.constant 121 : i32
    %dma_wait3A_476 = arith.constant 0 : i32
    %dma_wait3A_477 = tpu.memref_slice %arg8[%dma_wait3A_475, %dma_wait3A_476] : memref<125x80xi32, #tpu.memory_space<vmem>> -> memref<1x80xi32, #tpu.memory_space<vmem>>
    %dma_wait3A_478 = tpu.memref_squeeze %dma_wait3A_477 : memref<1x80xi32, #tpu.memory_space<vmem>> -> memref<80xi32, #tpu.memory_space<vmem>>
    %dma_wait3A_479 = arith.constant 0 : i32
    %dma_wait3A_480 = arith.constant 0 : i32
    %dma_wait3A_481 = tpu.memref_slice %arg14[%dma_wait3A_479, %dma_wait3A_480] : memref<10000x64xf32, #tpu.memory_space<vmem_shared>> -> memref<10000x64xf32, #tpu.memory_space<vmem_shared>>
    tpu.wait_indirect_dma semaphore(%arg20 : memref<!tpu.dma_semaphore, #tpu.memory_space<semaphore_mem>>) src(%arg10 : memref<80x64xf32, #tpu.memory_space<vmem>>) dst(%dma_wait3A_481 : memref<10000x64xf32, #tpu.memory_space<vmem_shared>>)
    %dma_wait3A_482 = arith.constant 122 : i32
    %dma_wait3A_483 = arith.constant 0 : i32
    %dma_wait3A_484 = tpu.memref_slice %arg8[%dma_wait3A_482, %dma_wait3A_483] : memref<125x80xi32, #tpu.memory_space<vmem>> -> memref<1x80xi32, #tpu.memory_space<vmem>>
    %dma_wait3A_485 = tpu.memref_squeeze %dma_wait3A_484 : memref<1x80xi32, #tpu.memory_space<vmem>> -> memref<80xi32, #tpu.memory_space<vmem>>
    %dma_wait3A_486 = arith.constant 0 : i32
    %dma_wait3A_487 = arith.constant 0 : i32
    %dma_wait3A_488 = tpu.memref_slice %arg14[%dma_wait3A_486, %dma_wait3A_487] : memref<10000x64xf32, #tpu.memory_space<vmem_shared>> -> memref<10000x64xf32, #tpu.memory_space<vmem_shared>>
    tpu.wait_indirect_dma semaphore(%arg21 : memref<!tpu.dma_semaphore, #tpu.memory_space<semaphore_mem>>) src(%arg11 : memref<80x64xf32, #tpu.memory_space<vmem>>) dst(%dma_wait3A_488 : memref<10000x64xf32, #tpu.memory_space<vmem_shared>>)
    %dma_wait3A_489 = arith.constant 123 : i32
    %dma_wait3A_490 = arith.constant 0 : i32
    %dma_wait3A_491 = tpu.memref_slice %arg8[%dma_wait3A_489, %dma_wait3A_490] : memref<125x80xi32, #tpu.memory_space<vmem>> -> memref<1x80xi32, #tpu.memory_space<vmem>>
    %dma_wait3A_492 = tpu.memref_squeeze %dma_wait3A_491 : memref<1x80xi32, #tpu.memory_space<vmem>> -> memref<80xi32, #tpu.memory_space<vmem>>
    %dma_wait3A_493 = arith.constant 0 : i32
    %dma_wait3A_494 = arith.constant 0 : i32
    %dma_wait3A_495 = tpu.memref_slice %arg14[%dma_wait3A_493, %dma_wait3A_494] : memref<10000x64xf32, #tpu.memory_space<vmem_shared>> -> memref<10000x64xf32, #tpu.memory_space<vmem_shared>>
    tpu.wait_indirect_dma semaphore(%arg22 : memref<!tpu.dma_semaphore, #tpu.memory_space<semaphore_mem>>) src(%arg12 : memref<80x64xf32, #tpu.memory_space<vmem>>) dst(%dma_wait3A_495 : memref<10000x64xf32, #tpu.memory_space<vmem_shared>>)
    %barrier3A_496 = arith.constant 0 : index
    tpu.barrier barrier_id(%barrier3A_496)
    "tpu.region"() ({
      %run_scoped3A_502 = tpu.sem_alloc : memref<!tpu.dma_semaphore, #tpu.memory_space<semaphore_mem>>
      %dma_start3A_503 = arith.constant 0 : i32
      %dma_start3A_504 = tpu.memref_slice %arg4[%arg0, %mul3A_438, %dma_start3A_503] : memref<2x10000x64xf32, #tpu.memory_space<hbm>> -> memref<1x624x64xf32, #tpu.memory_space<hbm>>
      %dma_start3A_505 = tpu.memref_squeeze %dma_start3A_504 : memref<1x624x64xf32, #tpu.memory_space<hbm>> -> memref<624x64xf32, #tpu.memory_space<hbm>>
      %dma_start3A_506 = arith.constant 0 : i32
      %dma_start3A_507 = tpu.memref_slice %arg14[%mul3A_438, %dma_start3A_506] : memref<10000x64xf32, #tpu.memory_space<vmem_shared>> -> memref<624x64xf32, #tpu.memory_space<vmem_shared>>
      tpu.enqueue_dma source(%dma_start3A_507 : memref<624x64xf32, #tpu.memory_space<vmem_shared>>) target(%dma_start3A_505 : memref<624x64xf32, #tpu.memory_space<hbm>>) target_semaphore(%run_scoped3A_502 : memref<!tpu.dma_semaphore, #tpu.memory_space<semaphore_mem>>)
      %dma_wait3A_508 = arith.constant 0 : i32
      %dma_wait3A_509 = tpu.memref_slice %arg4[%arg0, %mul3A_438, %dma_wait3A_508] : memref<2x10000x64xf32, #tpu.memory_space<hbm>> -> memref<1x624x64xf32, #tpu.memory_space<hbm>>
      %dma_wait3A_510 = tpu.memref_squeeze %dma_wait3A_509 : memref<1x624x64xf32, #tpu.memory_space<hbm>> -> memref<624x64xf32, #tpu.memory_space<hbm>>
      %dma_wait3A_511 = arith.constant 0 : i32
      %dma_wait3A_512 = tpu.memref_slice %arg14[%mul3A_438, %dma_wait3A_511] : memref<10000x64xf32, #tpu.memory_space<vmem_shared>> -> memref<624x64xf32, #tpu.memory_space<vmem_shared>>
      tpu.wait_dma2 semaphore(%run_scoped3A_502 : memref<!tpu.dma_semaphore, #tpu.memory_space<semaphore_mem>>) src(%dma_wait3A_512 : memref<624x64xf32, #tpu.memory_space<vmem_shared>>) dst(%dma_wait3A_510 : memref<624x64xf32, #tpu.memory_space<hbm>>)
      tpu.yield
    }) : () -> ()
    %eq3A_497 = arith.constant 15 : i32
    %eq3A_498 = arith.cmpi eq, %arg1, %eq3A_497 : i32
    %convert_element_type3A_499 = arith.extui %eq3A_498 : i1 to i32
    %cond3A_500 = arith.constant 0 : i32
    %cond3A_501 = arith.cmpi ne, %convert_element_type3A_499, %cond3A_500 : i32
    scf.if %cond3A_501 {
      "tpu.region"() ({
        %run_scoped3A_502 = tpu.sem_alloc : memref<!tpu.dma_semaphore, #tpu.memory_space<semaphore_mem>>
        %dma_start3A_503 = arith.constant 9984 : i32
        %dma_start3A_504 = arith.constant 0 : i32
        %dma_start3A_505 = tpu.memref_slice %arg4[%arg0, %dma_start3A_503, %dma_start3A_504] : memref<2x10000x64xf32, #tpu.memory_space<hbm>> -> memref<1x16x64xf32, #tpu.memory_space<hbm>>
        %dma_start3A_506 = tpu.memref_squeeze %dma_start3A_505 : memref<1x16x64xf32, #tpu.memory_space<hbm>> -> memref<16x64xf32, #tpu.memory_space<hbm>>
        %dma_start3A_507 = arith.constant 9984 : i32
        %dma_start3A_508 = arith.constant 0 : i32
        %dma_start3A_509 = tpu.memref_slice %arg14[%dma_start3A_507, %dma_start3A_508] : memref<10000x64xf32, #tpu.memory_space<vmem_shared>> -> memref<16x64xf32, #tpu.memory_space<vmem_shared>>
        tpu.enqueue_dma source(%dma_start3A_509 : memref<16x64xf32, #tpu.memory_space<vmem_shared>>) target(%dma_start3A_506 : memref<16x64xf32, #tpu.memory_space<hbm>>) target_semaphore(%run_scoped3A_502 : memref<!tpu.dma_semaphore, #tpu.memory_space<semaphore_mem>>)
        %dma_wait3A_510 = arith.constant 9984 : i32
        %dma_wait3A_511 = arith.constant 0 : i32
        %dma_wait3A_512 = tpu.memref_slice %arg4[%arg0, %dma_wait3A_510, %dma_wait3A_511] : memref<2x10000x64xf32, #tpu.memory_space<hbm>> -> memref<1x16x64xf32, #tpu.memory_space<hbm>>
        %dma_wait3A_513 = tpu.memref_squeeze %dma_wait3A_512 : memref<1x16x64xf32, #tpu.memory_space<hbm>> -> memref<16x64xf32, #tpu.memory_space<hbm>>
        %dma_wait3A_514 = arith.constant 9984 : i32
        %dma_wait3A_515 = arith.constant 0 : i32
        %dma_wait3A_516 = tpu.memref_slice %arg14[%dma_wait3A_514, %dma_wait3A_515] : memref<10000x64xf32, #tpu.memory_space<vmem_shared>> -> memref<16x64xf32, #tpu.memory_space<vmem_shared>>
        tpu.wait_dma2 semaphore(%run_scoped3A_502 : memref<!tpu.dma_semaphore, #tpu.memory_space<semaphore_mem>>) src(%dma_wait3A_516 : memref<16x64xf32, #tpu.memory_space<vmem_shared>>) dst(%dma_wait3A_513 : memref<16x64xf32, #tpu.memory_space<hbm>>)
        tpu.yield
      }) : () -> ()
    } else {
    }
    return
  }
}

module attributes {stable_mosaic.version = 14 : i64} {
  func.func @_msg_body(%arg0: memref<10000x128xf32, #tpu.memory_space<vmem>>, %arg1: memref<128x64xf32, #tpu.memory_space<vmem>>, %arg2: memref<1x64xf32, #tpu.memory_space<vmem>>, %arg3: memref<5000x128xf32, #tpu.memory_space<vmem>>) attributes {dimension_semantics = [], scalar_prefetch = 0 : i64, scratch_operands = 0 : i64, tpu.core_type = #tpu.core_type<tc>} {
    %get3A = arith.constant 0 : index
    %get3A_0 = arith.constant 0 : index
    %get3A_1 = vector.load %arg0[%get3A, %get3A_0] : memref<10000x128xf32, #tpu.memory_space<vmem>>, vector<5000x128xf32>
    %get3A_2 = arith.constant 0 : index
    %get3A_3 = arith.constant 0 : index
    %get3A_4 = vector.load %arg1[%get3A_2, %get3A_3] : memref<128x64xf32, #tpu.memory_space<vmem>>, vector<128x64xf32>
    %dot_general3A = arith.constant dense<0.000000e+00> : vector<5000x64xf32>
    %dot_general3A_5 = tpu.matmul %get3A_1, %get3A_4, %dot_general3A {dimension_numbers = #tpu.dot_dimension_numbers<[1], [0], [0], [1], [0, 0, 1, 1], [], []>, transpose_lhs_hint = false} : vector<5000x128xf32>, vector<128x64xf32>, vector<5000x64xf32> -> vector<5000x64xf32>
    %get3A_6 = arith.constant 0 : index
    %get3A_7 = arith.constant 0 : index
    %get3A_8 = vector.load %arg2[%get3A_6, %get3A_7] : memref<1x64xf32, #tpu.memory_space<vmem>>, vector<1x64xf32>
    %add3A = vector.broadcast %get3A_8 : vector<1x64xf32> to vector<5000x64xf32>
    %add3A_9 = arith.addf %dot_general3A_5, %add3A : vector<5000x64xf32>
    %get3A_10 = arith.constant 5000 : index
    %get3A_11 = arith.constant 0 : index
    %get3A_12 = vector.load %arg0[%get3A_10, %get3A_11] : memref<10000x128xf32, #tpu.memory_space<vmem>>, vector<5000x128xf32>
    %get3A_13 = arith.constant 0 : index
    %get3A_14 = arith.constant 0 : index
    %get3A_15 = vector.load %arg1[%get3A_13, %get3A_14] : memref<128x64xf32, #tpu.memory_space<vmem>>, vector<128x64xf32>
    %dot_general3A_16 = arith.constant dense<0.000000e+00> : vector<5000x64xf32>
    %dot_general3A_17 = tpu.matmul %get3A_12, %get3A_15, %dot_general3A_16 {dimension_numbers = #tpu.dot_dimension_numbers<[1], [0], [0], [1], [0, 0, 1, 1], [], []>, transpose_lhs_hint = false} : vector<5000x128xf32>, vector<128x64xf32>, vector<5000x64xf32> -> vector<5000x64xf32>
    %get3A_18 = arith.constant 0 : index
    %get3A_19 = arith.constant 0 : index
    %get3A_20 = vector.load %arg2[%get3A_18, %get3A_19] : memref<1x64xf32, #tpu.memory_space<vmem>>, vector<1x64xf32>
    %add3A_21 = vector.broadcast %get3A_20 : vector<1x64xf32> to vector<5000x64xf32>
    %add3A_22 = arith.addf %dot_general3A_17, %add3A_21 : vector<5000x64xf32>
    %concatenate3A = tpu.concatenate %add3A_9, %add3A_22 in 1 : vector<5000x64xf32>, vector<5000x64xf32> -> vector<5000x128xf32>
    %swap3A = arith.constant 0 : index
    %swap3A_23 = arith.constant 0 : index
    %swap3A_24 = vector.load %arg3[%swap3A, %swap3A_23] : memref<5000x128xf32, #tpu.memory_space<vmem>>, vector<5000x128xf32>
    tpu.vector_store %arg3[%swap3A, %swap3A_23], %concatenate3A {strides = array<i32>} : memref<5000x128xf32, #tpu.memory_space<vmem>>, vector<5000x128xf32>,
    return
  }
}

module attributes {stable_mosaic.version = 14 : i64} {
  func.func @_mlp_body(%arg0: memref<2x100x6400xf32, #tpu.memory_space<vmem>>, %arg1: memref<6400x256xf32, #tpu.memory_space<vmem>>, %arg2: memref<1x256xf32, #tpu.memory_space<vmem>>, %arg3: memref<256x128xf32, #tpu.memory_space<vmem>>, %arg4: memref<1x128xf32, #tpu.memory_space<vmem>>, %arg5: memref<128x1xf32, #tpu.memory_space<vmem>>, %arg6: memref<1x1xf32, #tpu.memory_space<vmem>>, %arg7: memref<100x1xf32, #tpu.memory_space<vmem>>) attributes {dimension_semantics = [], scalar_prefetch = 0 : i64, scratch_operands = 0 : i64, tpu.core_type = #tpu.core_type<tc>} {
    %get3A = arith.constant 0 : index
    %get3A_0 = arith.constant 0 : index
    %get3A_1 = arith.constant 0 : index
    %get3A_2 = vector.load %arg0[%get3A, %get3A_0, %get3A_1] : memref<2x100x6400xf32, #tpu.memory_space<vmem>>, vector<1x100x6400xf32>
    %get3A_3 = vector.shape_cast %get3A_2 : vector<1x100x6400xf32> to vector<100x6400xf32>
    %get3A_4 = arith.constant 1 : index
    %get3A_5 = arith.constant 0 : index
    %get3A_6 = arith.constant 0 : index
    %get3A_7 = vector.load %arg0[%get3A_4, %get3A_5, %get3A_6] : memref<2x100x6400xf32, #tpu.memory_space<vmem>>, vector<1x100x6400xf32>
    %get3A_8 = vector.shape_cast %get3A_7 : vector<1x100x6400xf32> to vector<100x6400xf32>
    %add3A = arith.addf %get3A_3, %get3A_8 : vector<100x6400xf32>
    %gt3A = arith.constant 0.000000e+00 : f32
    %gt3A_9 = vector.broadcast %gt3A : f32 to vector<100x6400xf32>
    %gt3A_10 = arith.cmpf ogt, %add3A, %gt3A_9 : vector<100x6400xf32>
    %min3A = arith.constant 0.000000e+00 : f32
    %min3A_11 = vector.broadcast %min3A : f32 to vector<100x6400xf32>
    %min3A_12 = arith.minimumf %add3A, %min3A_11 : vector<100x6400xf32>
    %exp3A = math.exp %min3A_12 : vector<100x6400xf32>
    %sub3A = arith.constant 1.000000e+00 : f32
    %sub3A_13 = vector.broadcast %sub3A : f32 to vector<100x6400xf32>
    %sub3A_14 = arith.subf %exp3A, %sub3A_13 : vector<100x6400xf32>
    %select_n3A = arith.select %gt3A_10, %add3A, %sub3A_14 : vector<100x6400xi1>, vector<100x6400xf32>
    %get3A_15 = arith.constant 0 : index
    %get3A_16 = arith.constant 0 : index
    %get3A_17 = vector.load %arg1[%get3A_15, %get3A_16] : memref<6400x256xf32, #tpu.memory_space<vmem>>, vector<6400x256xf32>
    %dot_general3A = arith.constant dense<0.000000e+00> : vector<100x256xf32>
    %dot_general3A_18 = tpu.matmul %select_n3A, %get3A_17, %dot_general3A {dimension_numbers = #tpu.dot_dimension_numbers<[1], [0], [0], [1], [0, 0, 1, 1], [], []>, transpose_lhs_hint = false} : vector<100x6400xf32>, vector<6400x256xf32>, vector<100x256xf32> -> vector<100x256xf32>
    %get3A_19 = arith.constant 0 : index
    %get3A_20 = arith.constant 0 : index
    %get3A_21 = vector.load %arg2[%get3A_19, %get3A_20] : memref<1x256xf32, #tpu.memory_space<vmem>>, vector<1x256xf32>
    %add3A_22 = vector.broadcast %get3A_21 : vector<1x256xf32> to vector<100x256xf32>
    %add3A_23 = arith.addf %dot_general3A_18, %add3A_22 : vector<100x256xf32>
    %max3A = arith.constant 0.000000e+00 : f32
    %max3A_24 = vector.broadcast %max3A : f32 to vector<100x256xf32>
    %max3A_25 = arith.maximumf %add3A_23, %max3A_24 : vector<100x256xf32>
    %get3A_26 = arith.constant 0 : index
    %get3A_27 = arith.constant 0 : index
    %get3A_28 = vector.load %arg3[%get3A_26, %get3A_27] : memref<256x128xf32, #tpu.memory_space<vmem>>, vector<256x128xf32>
    %dot_general3A_29 = arith.constant dense<0.000000e+00> : vector<100x128xf32>
    %dot_general3A_30 = tpu.matmul %max3A_25, %get3A_28, %dot_general3A_29 {dimension_numbers = #tpu.dot_dimension_numbers<[1], [0], [0], [1], [0, 0, 1, 1], [], []>, transpose_lhs_hint = false} : vector<100x256xf32>, vector<256x128xf32>, vector<100x128xf32> -> vector<100x128xf32>
    %get3A_31 = arith.constant 0 : index
    %get3A_32 = arith.constant 0 : index
    %get3A_33 = vector.load %arg4[%get3A_31, %get3A_32] : memref<1x128xf32, #tpu.memory_space<vmem>>, vector<1x128xf32>
    %add3A_34 = vector.broadcast %get3A_33 : vector<1x128xf32> to vector<100x128xf32>
    %add3A_35 = arith.addf %dot_general3A_30, %add3A_34 : vector<100x128xf32>
    %max3A_36 = arith.constant 0.000000e+00 : f32
    %max3A_37 = vector.broadcast %max3A_36 : f32 to vector<100x128xf32>
    %max3A_38 = arith.maximumf %add3A_35, %max3A_37 : vector<100x128xf32>
    %get3A_39 = arith.constant 0 : index
    %get3A_40 = arith.constant 0 : index
    %get3A_41 = vector.load %arg5[%get3A_39, %get3A_40] : memref<128x1xf32, #tpu.memory_space<vmem>>, vector<128x1xf32>
    %dot_general3A_42 = arith.constant dense<0.000000e+00> : vector<100x1xf32>
    %dot_general3A_43 = tpu.matmul %max3A_38, %get3A_41, %dot_general3A_42 {dimension_numbers = #tpu.dot_dimension_numbers<[1], [0], [0], [1], [0, 0, 1, 1], [], []>, transpose_lhs_hint = false} : vector<100x128xf32>, vector<128x1xf32>, vector<100x1xf32> -> vector<100x1xf32>
    %get3A_44 = arith.constant 0 : index
    %get3A_45 = arith.constant 0 : index
    %get3A_46 = vector.load %arg6[%get3A_44, %get3A_45] : memref<1x1xf32, #tpu.memory_space<vmem>>, vector<1x1xf32>
    %add3A_47 = vector.broadcast %get3A_46 : vector<1x1xf32> to vector<100x1xf32>
    %add3A_48 = arith.addf %dot_general3A_43, %add3A_47 : vector<100x1xf32>
    %neg3A = arith.constant 0.000000e+00 : f32
    %neg3A_49 = vector.broadcast %neg3A : f32 to vector<100x1xf32>
    %neg3A_50 = arith.subf %neg3A_49, %add3A_48 : vector<100x1xf32>
    %exp3A_51 = math.exp %neg3A_50 : vector<100x1xf32>
    %add3A_52 = arith.constant 1.000000e+00 : f32
    %add3A_53 = vector.broadcast %add3A_52 : f32 to vector<100x1xf32>
    %add3A_54 = arith.addf %add3A_53, %exp3A_51 : vector<100x1xf32>
    %div3A = arith.constant 1.000000e+00 : f32
    %div3A_55 = vector.broadcast %div3A : f32 to vector<100x1xf32>
    %div3A_56 = arith.divf %div3A_55, %add3A_54 : vector<100x1xf32>
    %swap3A = arith.constant 0 : index
    %swap3A_57 = arith.constant 0 : index
    %swap3A_58 = vector.load %arg7[%swap3A, %swap3A_57] : memref<100x1xf32, #tpu.memory_space<vmem>>, vector<100x1xf32>
    tpu.vector_store %arg7[%swap3A, %swap3A_57], %div3A_56 {strides = array<i32>} : memref<100x1xf32, #tpu.memory_space<vmem>>, vector<100x1xf32>,
    return
  }
}

</mosaic_0001>

<sc_bundles>
// kernel: kernel.5.cloned.1.call-start
scs
__scs_entry_jumppad:
0x0: {  	(pc) =	sbr.rel $0x88, $3  }
0x1: {  	(tag) =	ssettag $0x0;
	lr =	simm.s32 $0x1  }
0x2: {  	[smem:$0x3F97] =	sst lr;
	_ =	strace $0xD0000000  }
0x3: {  	_ = 	snop  }
0x4: {  	_ = 	snop  }
0x5: {  	_ = 	snop  }
0x6: {  	_ = 	snop  }
0x7: {  	_ = 	snop  }
__scs_overlays_trampoline_lowered:
0x8: {  	[smem:$0x3FA6] =	sst s0  }
0x9: {  	[smem:$0x3FA7] =	sst s1  }
0xa: {  	[smem:$0x3FA8] =	sst s2  }
0xb: {  	[smem:$0x3FA9] =	sst s3  }
0xc: {  	[smem:$0x3FAA] =	sst s4  }
0xd: {  	[smem:$0x3FAB] =	sst s5  }
0xe: {  	[smem:$0x3FAC] =	sst s6  }
0xf: {  	[smem:$0x3FAD] =	sst s7  }
0x10: {  	[smem:$0x3FAE] =	sst s8  }
0x11: {  	[smem:$0x3FAF] =	sst s9;
	s0 =	simm.s32 @!p0 $0x0  }
0x12: {  	s1 =	sld [smem:$0x3F95];
	s0 =	simm.s32 @p0 $0x1  }
0x13: {  	[smem:$0x3FB0] =	sst s0;
	s0 =	simm.s32 @!p1 $0x0  }
0x14: {  	s2 =	sld [smem:$0x3F94];
	s0 =	simm.s32 @p1 $0x1  }
0x15: {  	[smem:$0x3FB1] =	sst s0;
	s0 =	simm.s32 @!p2 $0x0  }
0x16: {  	s3 =	sld [smem:$0x3FDB];
	s0 =	simm.s32 @p2 $0x1  }
0x17: {  	s4 =	simm.s32 $0x1BF5;
	[smem:$0x3FB3] =	sst s0  }
0x18: {  	s0 =	sld [smem:$0x3F96];
	_ =	swait.ge [sflag:s4], $0x0  }
0x19: {  	s7 =	sld [smem:$0x3F97]  }
0x1a: {  	s8 =	sadd.s32 $0xFFFFE003, lr  }
0x1b: {  	s9 =	sadd.s32 $0xFFFFFEF7, lr;
	s5 =	simm.s32 $0xFFFFFFFF;
	p2 =	slt.u32 s8, $0xFFFFF086  }
0x1c: {  	p1 =	slt.u32 s9, $0xF7A;
	s5 =	simm.s32 @!p2 $0x0  }
0x1d: {  	s5 =	simm.s32 @p1 $0x1;
	p0 =	seq.s32 s7, s2  }
0x1e: {  	s7 =	smul.u32 @!p0 $0xF7A, s2;
	p2 =	seq.s32 @!p0 s5, $0x0  }
0x1f: {  	s9 =	smul.u32 $0xF7A, s1;
	s8 =	simm.s32 @!p0 $0x1BF5;
	p2 =	por !p2, p0  }
0x20: {  	[sflag:s8] =	ssyncset.s32 @!p0 $0xFFFFF086;
	s6 =	sadd.s32 @!p0 s3, s7;
	s7 =	simm.s32 @!p0 $0x108  }
0x21: {  	s3 =	sadd.s32 s3, s9;
	s6 =	sadd.s32 @!p0 $0x88, s6;
	s7 =	simm.s32 @p2 $0x1082  }
0x22: {  	[simem:s7], [sflag:s8] =	dma.local @!p0 [hbm:s6], $0xF7A  }
0x23: {  	s9 =	sor.u32 $0xD0000000, s2;
	s6 =	simm.s32 $0x108;
	_ =	swait.ge @!p0 [sflag:s8], $0x0  }
0x24: {  	s3 =	sadd.s32 $0x88, s3;
	s6 =	simm.s32 @!p1 $0x1082;
	[sflag:s4] =	ssyncset.s32 $0xFFFFF086  }
0x25: {  	[simem:s6], [sflag:s4] =	dma.local [hbm:s3], $0xF7A  }
0x26: {  	[smem:$0x3F97] =	sst s1;
	(tag) =	ssettag s2;
	_ =	strace s9  }
0x27: {  	s1 =	sld [smem:$0x3FA7]  }
0x28: {  	s2 =	sld [smem:$0x3FA8]  }
0x29: {  	s4 =	sld [smem:$0x3FAA]  }
0x2a: {  	p0 =	seq.s32 s5, $0x0;
	s5 =	sld [smem:$0x3FAB]  }
0x2b: {  	s6 =	sld [smem:$0x3FAC]  }
0x2c: {  	s7 =	sld [smem:$0x3FAD]  }
0x2d: {  	s3 =	simm.s32 $0x108;
	s8 =	sld [smem:$0x3FAE]  }
0x2e: {  	s3 =	simm.s32 @!p0 $0x1082;
	s9 =	sld [smem:$0x3FAF]  }
0x2f: {  	lr =	sadd.s32 s0, s3;
	s0 =	sld [smem:$0x3FA6]  }
0x30: {  	s3 =	sld [smem:$0x3FA9]  }
0x31: {  	[smem:$0x3FB2] =	sst s10  }
0x32: {  	s10 =	sld [smem:$0x3FB0];
	_ =	sdelay $0x3  }
0x33: {  	p0 =	seq.s32 s10, $0x1;
	s10 =	sld [smem:$0x3FB2];
	_ =	sdelay $0x3  }
0x34: {  	[smem:$0x3FB2] =	sst s10  }
0x35: {  	s10 =	sld [smem:$0x3FB1];
	_ =	sdelay $0x3  }
0x36: {  	p1 =	seq.s32 s10, $0x1;
	s10 =	sld [smem:$0x3FB2];
	_ =	sdelay $0x3  }
0x37: {  	[smem:$0x3FB2] =	sst s10  }
0x38: {  	s10 =	sld [smem:$0x3FB3]  }
0x39: {  	_ = 	snop;
	(pc) =	sbr.ind lr, $3  }
0x3a: {  	_ = 	snop  }
0x3b: {  	_ = 	snop  }
0x3c: {  	p2 =	seq.s32 s10, $0x1;
	s10 =	sld [smem:$0x3FB2]  }
0x3d: {  	_ =	shalt  }
0x3e: {  	_ =	shalt  }
0x3f: {  	_ =	shalt  }
0x40: {  	_ =	shalt  }
0x41: {  	_ =	shalt  }
0x42: {  	_ =	shalt  }
0x43: {  	_ =	shalt  }
0x44: {  	_ =	shalt  }
0x45: {  	_ =	shalt  }
0x46: {  	_ =	shalt  }
0x47: {  	_ =	shalt  }
0x48: {  	_ =	shalt  }
0x49: {  	_ =	shalt  }
0x4a: {  	_ =	shalt  }
0x4b: {  	_ =	shalt  }
0x4c: {  	_ =	shalt  }
0x4d: {  	_ =	shalt  }
0x4e: {  	_ =	shalt  }
0x4f: {  	_ =	shalt  }
0x50: {  	_ =	shalt  }
0x51: {  	_ =	shalt  }
0x52: {  	_ =	shalt  }
0x53: {  	_ =	shalt  }
0x54: {  	_ =	shalt  }
0x55: {  	_ =	shalt  }
0x56: {  	_ =	shalt  }
0x57: {  	_ =	shalt  }
0x58: {  	_ =	shalt  }
0x59: {  	_ =	shalt  }
0x5a: {  	_ =	shalt  }
0x5b: {  	_ =	shalt  }
0x5c: {  	_ =	shalt  }
0x5d: {  	_ =	shalt  }
0x5e: {  	_ =	shalt  }
0x5f: {  	_ =	shalt  }
0x60: {  	_ =	shalt  }
0x61: {  	_ =	shalt  }
0x62: {  	_ =	shalt  }
0x63: {  	_ =	shalt  }
0x64: {  	_ =	shalt  }
0x65: {  	_ =	shalt  }
0x66: {  	_ =	shalt  }
0x67: {  	_ =	shalt  }
0x68: {  	_ =	shalt  }
0x69: {  	_ =	shalt  }
0x6a: {  	_ =	shalt  }
0x6b: {  	_ =	shalt  }
0x6c: {  	_ =	shalt  }
0x6d: {  	_ =	shalt  }
0x6e: {  	_ =	shalt  }
0x6f: {  	_ =	shalt  }
0x70: {  	_ =	shalt  }
0x71: {  	_ =	shalt  }
0x72: {  	_ =	shalt  }
0x73: {  	_ =	shalt  }
0x74: {  	_ =	shalt  }
0x75: {  	_ =	shalt  }
0x76: {  	_ =	shalt  }
0x77: {  	_ =	shalt  }
0x78: {  	_ =	shalt  }
0x79: {  	_ =	shalt  }
0x7a: {  	_ =	shalt  }
0x7b: {  	_ =	shalt  }
0x7c: {  	_ =	shalt  }
0x7d: {  	_ =	shalt  }
0x7e: {  	_ =	shalt  }
0x7f: {  	_ =	shalt  }
0x80: {  	_ =	shalt  }
0x81: {  	_ =	shalt  }
0x82: {  	_ =	shalt  }
0x83: {  	_ =	shalt  }
0x84: {  	_ =	shalt  }
0x85: {  	_ =	shalt  }
0x86: {  	_ =	shalt  }
0x87: {  	_ =	shalt  }
.Lfunc_end0:
.L_simem_size_0:
called_computation_lowered:
.L_overlay_start_0:
0x88: {  	s2 =	sld [smem:$0x3FD9]  }
0x89: {  	s3 =	sld [smem:$0x3FFE];
	_ =	sdelay $0x1  }
0x8a: {  	s1 =	srdreg.scid  }
0x8b: {  	s0 =	sand.u32 $0x1, s1  }
0x8c: {  	s16 =	sshll.u32 s0, $0xA;
	s2 =	sadd.s32 s3, s2  }
0x8d: {  	s2 =	sadd.s32 s2, s16  }
0x8e: {  	[smem:$0x3FBE] =	sst s2  }
0x8f: {  	_ = 	snop  }
0x90: {  	(tm) =	ssettm $0x1  }
0x91: {  	s17 =	sld [smem:$0x3FFB];
	_ =	sdelay $0x3  }
0x92: {  	_ =	strace s17  }
0x93: {  	s2 =	sld [smem:$0x3FFC];
	_ =	sdelay $0x3  }
0x94: {  	_ =	strace s2  }
0x95: {  	s2 =	sld [smem:$0x3FFD];
	_ =	sdelay $0x3  }
0x96: {  	_ =	strace s2  }
0x97: {  	_ =	strace $0x8FFFFFFF  }
0x98: {  	s18 =	sld [smem:$0x3FDB];
	_ =	sdelay $0x1  }
0x99: {  	s19 =	simm.s32 $_scs_section_size  }
0x9a: {  	s4 =	simm.s32 $_size__tile_overlayer_lowered;
	s5 =	simm.s32 $_tile_overlayer_lowered  }
0x9b: {  	s22 =	simm.s32 $0x1BFF;
	s21 =	sshll.u32 s5, $0x1;
	s2 =	sadd.s32 s19, s18  }
0x9c: {  	s6 =	simm.s32 $0x0;
	s20 =	sshll.u32 s4, $0x1;
	s4 =	sadd.s32 s21, s2  }
0x9d: {  	[timem:s6], [sflag:s22] =	dma.local [hbm:s4], s20  }
0x9e: {  	_ =	swait.ge [sflag:s22], s20  }
0x9f: {  	s3 =	ssub.s32 $0x0, s20;
	[sflag:s22] =	ssyncset.done $0x0  }
0xa0: {  	[sflag:s22] =	ssyncadd.s32 s3;
	_ =	sdelay $0x1  }
0xa1: {  	s23 =	simm.s32 $0x1B8B  }
0xa2: {  	_ =	swait.ge [sflag:s23], $0x1  }
0xa3: {  	[sflag:s23] =	ssyncset.done $0x0  }
0xa4: {  	s25 =	simm.s32 $0x1B8E;
	s24 =	sld [smem:$0x3FFE];
	[sflag:s23] =	ssyncadd.s32 $0xFFFFFFFF  }
0xa5: {  	s26 =	simm.s32 $execute0_lowered;
	[smem:$0x3FD2] =	sst s25  }
0xa6: {  	s4 =	sshll.u32 s26, $0x1;
	_ =	strace $0x80000046;
	[dreg:$0x1] =	wrdreg $0xFFFFFFFF  }
0xa7: {  	s28 =	simm.s32 $_size_execute0_lowered;
	s2 =	sadd.s32 s2, s4;
	[dreg:$0x0] =	wrdreg $0x0  }
0xa8: {  	s4 =	sshll.u32 s28, $0x1;
	[dreg:$0x2] =	wrdreg s2  }
0xa9: {  	[dreg:$0x3] =	wrdreg s4  }
0xaa: {  	[dreg:$0x4] =	wrdreg $0xC0  }
0xab: {  	_ =	task [dreg:s6], $0x5FFFF  }
0xac: {  	[dreg:$0x1] =	wrdreg $0xFFFFFFFF  }
0xad: {  	[dreg:$0x0] =	wrdreg $0x60  }
0xae: {  	[dreg:$0x2] =	wrdreg s24  }
0xaf: {  	[dreg:$0x3] =	wrdreg $0x106400  }
0xb0: {  	[dreg:$0x4] =	wrdreg $0x9  }
0xb1: {  	_ =	task.clear_ibuf [dreg:s6], $0x5FFFF;
	_ =	strace $0x90000046  }
0xb2: {  	s29 =	simm.s32 $0x9;
	_ =	strace $0x80000048  }
0xb3: {  	_ =	swait.ge [sflag:s29], $0x1  }
0xb4: {  	[sflag:s29] =	ssyncadd.s32 $0xFFFFFFFF  }
0xb5: {  	_ =	strace $0x90000048  }
0xb6: {  	_ =	sfence  }
0xb7: {  	s30 =	sld [smem:$0x0];
	_ =	sdelay $0x2  }
0xb8: {  	s31 =	sshll.u32 s1, $0xD;
	s1 =	sshrl.u32 s1, $0x2  }
0xb9: {  	s3 =	sand.u32 $0x4000, s31;
	s1 =	sadd.s32 s1, s30  }
0xba: {  	s0 =	sor.u32 s3, s0;
	s1 =	sshll.u32 s1, $0x11  }
0xbb: {  	s0 =	sor.u32 s1, s0  }
0xbc: {  	s0 =	sadd.s32 $0x8F2B, s0  }
0xbd: {  	[sflag:s0] =	ssyncadd.remote.s32 $0x1  }
0xbe: {  	_ =	sfence.sel $0xFFFF  }
0xbf: {  	[dreg:$0x0] =	wrdreg $0xFFFFFFFF;
	(pc) =	sbr.abs _section_cstart, $3  }
0xc0: {  	[dreg:$0x1] =	wrdreg $0xFFFFFFFF  }
0xc1: {  	_ =	task.clear_ibuf [dreg:s6], $0x2FFFF;
	_ =	strace $0x9FFFFFFF  }
0xc2: {  	(tm) =	ssettm $0x7FFFFFFF  }
0xc3: {  	_ =	shalt  }
tec
execute0_lowered:
.L_overlay_start_1:
0x0: {  	(tag) =	ssettag $0x1  }
0x1: {  	s0 =	srdreg.scid;
	s3 =	rddreg [dreg:$0x0]  }
0x2: {  	s17 =	stileid.u32;
	s2 =	rddreg [dreg:$0x1];
	s4 =	simm.s32 $0x0  }
0x3: {  	s18 =	simm.s32 $0x5;
	s19 =	simm.s32 $0x50;
	s21 =	simm.s32 $0x9C40  }
0x4: {  	s23 =	simm.s32 $0xB040;
	s28 =	simm.s32 $0xD840;
	s29 =	simm.s32 $0xEC40  }
0x5: {  	s30 =	simm.s32 $0x9;
	s31 =	simm.s32 $0x6;
	s20 =	simm.s32 $0x3  }
0x6: {  	s22 =	simm.s32 $0x4;
	s0 =	sand.u32 $0x1, s0;
	s7 =	smul.u32 $0x27000, s17  }
0x7: {  	[smem:$0x7FF] =	sst s4;
	s4 =	sadd.s32 $0x15400, s3;
	s24 =	smul.u32 $0x9C00, s17  }
0x8: {  	s13 =	sadd.s32 $0x9C000, s2;
	p0 =	sne.s32 s17, $0xF;
	s1 =	sshll.u32 s0, $0x4  }
0x9: {  	_ =	strace $0x80000047;
	s5 =	ssub.s32 $0x2, s0;
	s0 =	smul.u32 $0x9C400, s0  }
0xa: {  	s1 =	sor.u32 s17, s1;
	s6 =	sshrl.u32 s5, $0x1;
	s25 =	sshrl.u32 s7, $0x2  }
0xb: {  	s7 =	sadd.s32 s24, s2;
	s17 =	simm.s32 $0x2;
	s1 =	smul.u32 $0x2710, s1  }
0xc: {  	s5 =	ssub.s32 s5, s6;
	s6 =	sadd.s32 s24, s0;
	s0 =	sshrl.u32 s0, $0x3  }
0xd: {  	s24 =	simm.s32 $0x8;
	s26 =	sshrl.u32 s6, $0x3;
	s1 =	sshrl.u32 s1, $0x3  }
0xe: {  	s16 =	smax.u32 s5, $0x1;
	s1 =	sadd.s32 s1, s3;
	s3 =	sadd.s32 $0x28E00, s3  }
0xf: {  	s8 =	sadd.s32 $0x1A00, s1;
	s1 =	sadd.s32 $0xB640, s1;
	s0 =	sadd.s32 s3, s0  }
.Ltmp0:
0x10: {  	s14 =	sadd.s32 s3, s26;
	[dreg:$0x3] =	wrdreg s8;
	(pc) =	sbr.rel .LBB2_1-.Ltmp0, $4  }
0x11: {  	s26 =	simm.s32 $0x7;
	[dreg:$0x4] =	wrdreg s1;
	s1 =	sadd.s32 s25, s2  }
0x12: {  	s15 =	sadd.s32 $0x13800, s0;
	s25 =	simm.s32 $0xC440;
	s0 =	simm.s32 $0x0  }
0x13: {  	s8 =	sadd.s32 $0x1A00, s1;
	s9 =	sadd.s32 $0x3400, s1;
	s10 =	sadd.s32 $0x4E00, s1  }
0x14: {  	v0 =	vimm.f32 $0.0e+00;
	s11 =	sadd.s32 $0x6800, s1;
	s12 =	sadd.s32 $0x8200, s1;
	s1 =	simm.s32 $0x1  }
.LBB2_8:
0x15: {  	_ =	swait.ge [sflag:s17], $0x1400  }
0x16: {  	[sflag:s17] =	ssyncset.done $0x0  }
0x17: {  	[sflag:s17] =	ssyncadd.s32 $0xFFFFEC00  }
0x18: {  	[spmem:s2] =	stream.indirect.scatter.add.f32 [tilespmem:s23], [sflag:$0x6], $0x40, s6, s19, $0xb8;
	[tilespmem:$0x1A280] =	vst v63  }
0x19: {  	_ =	swait.ge [sflag:s20], $0x1400  }
0x1a: {  	[sflag:s20] =	ssyncset.done $0x0  }
0x1b: {  	s5 =	sadd.s32 $0x75D0, s3;
	[sflag:s20] =	ssyncadd.s32 $0xFFFFEC00  }
0x1c: {  	[spmem:s2] =	stream.indirect.scatter.add.f32 [tilespmem:s25], [sflag:$0x7], $0x40, s5, s19, $0xb8;
	[tilespmem:$0x1A280] =	vst v63  }
0x1d: {  	_ =	swait.ge [sflag:s22], $0x1400  }
0x1e: {  	[sflag:s22] =	ssyncset.done $0x0  }
0x1f: {  	s5 =	sadd.s32 $0x7620, s3;
	[sflag:s22] =	ssyncadd.s32 $0xFFFFEC00  }
0x20: {  	[spmem:s2] =	stream.indirect.scatter.add.f32 [tilespmem:s28], [sflag:$0x8], $0x40, s5, s19, $0xb8;
	[tilespmem:$0x1A280] =	vst v63  }
0x21: {  	_ =	swait.ge [sflag:s1], $0x1400  }
0x22: {  	[sflag:s1] =	ssyncset.done $0x0  }
0x23: {  	s6 =	simm.s32 $0x9BF0;
	[sflag:s1] =	ssyncadd.s32 $0xFFFFEC00  }
0x24: {  	[spmem:s2] =	stream.indirect.scatter.add.f32 [tilespmem:s21], [sflag:$0x9], $0x40, s6, s19, $0xb8;
	[tilespmem:$0x1A280] =	vst v63  }
0x25: {  	_ =	swait.ge [sflag:s30], $0x1400  }
0x26: {  	[sflag:s30] =	ssyncset.done $0x0  }
0x27: {  	[sflag:s30] =	ssyncadd.s32 $0xFFFFEC00  }
0x28: {  	_ =	swait.ge [sflag:s31], $0x1400  }
0x29: {  	[sflag:s31] =	ssyncset.done $0x0  }
0x2a: {  	[sflag:s31] =	ssyncadd.s32 $0xFFFFEC00  }
0x2b: {  	_ =	swait.ge [sflag:s26], $0x1400  }
0x2c: {  	[sflag:s26] =	ssyncset.done $0x0  }
0x2d: {  	[sflag:s26] =	ssyncadd.s32 $0xFFFFEC00  }
0x2e: {  	_ =	swait.ge [sflag:s24], $0x1400  }
0x2f: {  	s5 =	stileid.u32;
	[sflag:s24] =	ssyncset.done $0x0  }
0x30: {  	s3 =	sshll.u32 s5, $0x6;
	[sflag:s24] =	ssyncadd.s32 $0xFFFFEC00  }
0x31: {  	s3 =	sor.u32 $0x1C09, s3;
	s6 =	sshrl.u32 s7, $0x3;
	[bflag:$0x0] =	sbarrier.arrive $0xFFFF  }
0x32: {  	[hbm:s14], [sflag:s3] =	dma.local [spmem:s6], $0x1380  }
0x33: {  	_ =	swait.ge [sflag:s30], $0x1380  }
0x34: {  	s0 =	sadd.s32 $0x1, s0;
	[sflag:s30] =	ssyncset.done $0x0  }
0x35: {  	p1 =	sne.s32 s0, s16;
	s5 =	sshrl.u32 @!p0 s13, $0x3;
	[sflag:s30] =	ssyncadd.s32 $0xFFFFEC80  }
0x36: {  	[hbm:s15], [sflag:s3] =	dma.local @!p0 [spmem:s5], $0x80  }
.Ltmp1:
0x37: {  	_ = 	snop;
	(pc) =	sbr.rel @!p1 .LBB2_9-.Ltmp1, $4  }
0x38: {  	s3 =	simm.s32 @!p0 $0x9  }
0x39: {  	_ =	swait.ge @!p0 [sflag:s3], $0x80  }
0x3a: {  	[sflag:s3] =	ssyncset.done @!p0 $0x0  }
0x3b: {  	[sflag:s3] =	ssyncadd.s32 @!p0 $0xFFFFFF80  }
.LBB2_1:
0x3c: {  	s3 =	simm.s32 $0x0;
	s5 =	rddreg [dreg:$0x3]  }
0x3d: {  	[tilespmem:s3], [sflag:$0x5] =	stream.linear.gather [hbm4b:s5+s3], $0x2710, $0x38;
	[tilespmem:$0x1A280] =	vst v63  }
0x3e: {  	s6 =	simm.s32 $0x4E20;
	s5 =	rddreg [dreg:$0x4]  }
0x3f: {  	[tilespmem:s6], [sflag:$0x6] =	stream.linear.gather [hbm4b:s5+s3], $0x2710, $0x38;
	[tilespmem:$0x1A280] =	vst v63  }
0x40: {  	_ =	swait.ge [sflag:s18], $0x2710  }
0x41: {  	[sflag:s18] =	ssyncset.done $0x0  }
0x42: {  	[sflag:s18] =	ssyncadd.s32 $0xFFFFD8F0  }
0x43: {  	v1 =	vld [tilespmem:$0x0]  }
0x44: {  	v2 =	vld [tilespmem:$0x10]  }
0x45: {  	v3 =	vld [tilespmem:$0x20];
	_ =	sdelay $0x1  }
0x46: {  	v5 =	vld [tilespmem:$0x30]  }
0x47: {  	v6 =	vld [tilespmem:$0x40];
	v4 =	vshll.u32 v1, $0x1  }
0x48: {  	vm0 =	vlt.s32 v1, $0x1388;
	vm10 =	vlt.s32 v2, $0x1388;
	v2 =	vshll.u32 v2, $0x1  }
0x49: {  	v44 =	vshll.u32 v3, $0x1;
	vm1 =	vlt.s32 v3, $0x1388;
	v1 =	vadd.s32 $0xFFFFD8F1, v4  }
0x4a: {  	v7 =	vadd.s32 $0xFFFFD8F1, v2;
	v3 =	vadd.s32 $0xFFFFD8F1, v44;
	v1 =	vsel vm0, v4, v1  }
0x4b: {  	[tilespmem:$0x2710] =	vst v1;
	v1 =	vsel vm10, v2, v7;
	v2 =	vsel vm1, v44, v3;
	v3 =	vshll.u32 v5, $0x1  }
0x4c: {  	vm11 =	vlt.s32 v5, $0x1388;
	v45 =	vshll.u32 v6, $0x1;
	[tilespmem:$0x2720] =	vst v1;
	v1 =	vadd.s32 $0xFFFFD8F1, v3  }
0x4d: {  	vm12 =	vlt.s32 v6, $0x1388;
	[tilespmem:$0x2730] =	vst v2;
	v2 =	vadd.s32 $0xFFFFD8F1, v45;
	v1 =	vsel vm11, v3, v1  }
0x4e: {  	[tilespmem:$0x2740] =	vst v1;
	v1 =	vsel vm12, v45, v2  }
0x4f: {  	s5 =	simm.s32 $0x2710;
	[tilespmem:$0x2750] =	vst v1  }
0x50: {  	[tilespmem:s21], [sflag:$0x1] =	stream.indirect.gather [hbm4b:s4+s19], $0x40, s5, s19, $0xb8;
	[tilespmem:$0x1A280] =	vst v63  }
0x51: {  	v1 =	vld [tilespmem:$0x50]  }
0x52: {  	v2 =	vld [tilespmem:$0x60]  }
0x53: {  	v3 =	vld [tilespmem:$0x70];
	_ =	sdelay $0x1  }
0x54: {  	v47 =	vld [tilespmem:$0x80]  }
0x55: {  	v48 =	vld [tilespmem:$0x90];
	v46 =	vshll.u32 v1, $0x1  }
0x56: {  	vm13 =	vlt.s32 v1, $0x1388;
	vm14 =	vlt.s32 v2, $0x1388;
	v2 =	vshll.u32 v2, $0x1  }
0x57: {  	v49 =	vshll.u32 v3, $0x1;
	vm15 =	vlt.s32 v3, $0x1388;
	v1 =	vadd.s32 $0xFFFFD8F1, v46  }
0x58: {  	v50 =	vadd.s32 $0xFFFFD8F1, v2;
	v3 =	vadd.s32 $0xFFFFD8F1, v49;
	v1 =	vsel vm13, v46, v1  }
0x59: {  	[tilespmem:$0x2760] =	vst v1;
	v1 =	vsel vm14, v2, v50;
	v2 =	vsel vm15, v49, v3;
	v3 =	vshll.u32 v47, $0x1  }
0x5a: {  	vm4 =	vlt.s32 v47, $0x1388;
	v51 =	vshll.u32 v48, $0x1;
	[tilespmem:$0x2770] =	vst v1;
	v1 =	vadd.s32 $0xFFFFD8F1, v3  }
0x5b: {  	vm5 =	vlt.s32 v48, $0x1388;
	[tilespmem:$0x2780] =	vst v2;
	v2 =	vadd.s32 $0xFFFFD8F1, v51;
	v1 =	vsel vm4, v3, v1  }
0x5c: {  	[tilespmem:$0x2790] =	vst v1;
	v1 =	vsel vm5, v51, v2  }
0x5d: {  	s6 =	simm.s32 $0x2760;
	[tilespmem:$0x27A0] =	vst v1  }
0x5e: {  	[tilespmem:s23], [sflag:$0x2] =	stream.indirect.gather [hbm4b:s4+s19], $0x40, s6, s19, $0xb8;
	[tilespmem:$0x1A280] =	vst v63  }
0x5f: {  	v1 =	vld [tilespmem:$0xA0]  }
0x60: {  	v2 =	vld [tilespmem:$0xB0]  }
0x61: {  	v3 =	vld [tilespmem:$0xC0];
	_ =	sdelay $0x1  }
0x62: {  	v53 =	vld [tilespmem:$0xD0]  }
0x63: {  	v54 =	vld [tilespmem:$0xE0];
	v52 =	vshll.u32 v1, $0x1  }
0x64: {  	vm6 =	vlt.s32 v1, $0x1388;
	vm7 =	vlt.s32 v2, $0x1388;
	v2 =	vshll.u32 v2, $0x1  }
0x65: {  	v55 =	vshll.u32 v3, $0x1;
	vm8 =	vlt.s32 v3, $0x1388;
	v1 =	vadd.s32 $0xFFFFD8F1, v52  }
0x66: {  	v56 =	vadd.s32 $0xFFFFD8F1, v2;
	v3 =	vadd.s32 $0xFFFFD8F1, v55;
	v1 =	vsel vm6, v52, v1  }
0x67: {  	[tilespmem:$0x27B0] =	vst v1;
	v1 =	vsel vm7, v2, v56;
	v2 =	vsel vm8, v55, v3;
	v3 =	vshll.u32 v53, $0x1  }
0x68: {  	vm9 =	vlt.s32 v53, $0x1388;
	v57 =	vshll.u32 v54, $0x1;
	[tilespmem:$0x27C0] =	vst v1;
	v1 =	vadd.s32 $0xFFFFD8F1, v3  }
0x69: {  	vm10 =	vlt.s32 v54, $0x1388;
	[tilespmem:$0x27D0] =	vst v2;
	v2 =	vadd.s32 $0xFFFFD8F1, v57;
	v1 =	vsel vm9, v3, v1  }
0x6a: {  	[tilespmem:$0x27E0] =	vst v1;
	v1 =	vsel vm10, v57, v2  }
0x6b: {  	s5 =	simm.s32 $0x27B0;
	[tilespmem:$0x27F0] =	vst v1  }
0x6c: {  	[tilespmem:s25], [sflag:$0x3] =	stream.indirect.gather [hbm4b:s4+s19], $0x40, s5, s19, $0xb8;
	[tilespmem:$0x1A280] =	vst v63  }
0x6d: {  	v1 =	vld [tilespmem:$0xF0]  }
0x6e: {  	v2 =	vld [tilespmem:$0x100]  }
0x6f: {  	v3 =	vld [tilespmem:$0x110];
	_ =	sdelay $0x1  }
0x70: {  	v59 =	vld [tilespmem:$0x120]  }
0x71: {  	v60 =	vld [tilespmem:$0x130];
	v58 =	vshll.u32 v1, $0x1  }
0x72: {  	vm11 =	vlt.s32 v1, $0x1388;
	vm12 =	vlt.s32 v2, $0x1388;
	v2 =	vshll.u32 v2, $0x1  }
0x73: {  	v61 =	vshll.u32 v3, $0x1;
	vm13 =	vlt.s32 v3, $0x1388;
	v1 =	vadd.s32 $0xFFFFD8F1, v58  }
0x74: {  	v62 =	vadd.s32 $0xFFFFD8F1, v2;
	v3 =	vadd.s32 $0xFFFFD8F1, v61;
	v1 =	vsel vm11, v58, v1  }
0x75: {  	v2 =	vsel vm12, v2, v62;
	[tilespmem:$0x2800] =	vst v1;
	v1 =	vsel vm13, v61, v3;
	v3 =	vshll.u32 v59, $0x1  }
0x76: {  	vm14 =	vlt.s32 v59, $0x1388;
	v63 =	vshll.u32 v60, $0x1;
	[tilespmem:$0x2810] =	vst v2;
	v2 =	vadd.s32 $0xFFFFD8F1, v3  }
0x77: {  	vm15 =	vlt.s32 v60, $0x1388;
	[tilespmem:$0x2820] =	vst v1;
	v1 =	vsel vm14, v3, v2;
	v2 =	vadd.s32 $0xFFFFD8F1, v63  }
0x78: {  	[tilespmem:$0x2830] =	vst v1;
	v1 =	vsel vm15, v63, v2  }
0x79: {  	s3 =	simm.s32 $0x0;
	s6 =	simm.s32 $0x2800;
	s5 =	simm.s32 $0x100;
	[tilespmem:$0x2840] =	vst v1  }
0x7a: {  	[tilespmem:s28], [sflag:$0x4] =	stream.indirect.gather [hbm4b:s4+s19], $0x40, s6, s19, $0xb8;
	[tilespmem:$0x1A280] =	vst v63  }
.LBB2_2:
0x7b: {  	p1 =	sne.s32 s5, $0x6700;
	[tilespmem:s3+$0xEC70] =	vst v0;
	s6 =	smov.u32 s5;
	s5 =	sadd.s32 $0x100, s5  }
.Ltmp2:
0x7c: {  	[tilespmem:s3+$0xEC60] =	vst v0;
	(pc) =	sbr.rel @p1 .LBB2_2-.Ltmp2, $3  }
0x7d: {  	[tilespmem:s3+$0xEC40] =	vst v0  }
0x7e: {  	[tilespmem:s3+$0xEC50] =	vst v0;
	_ =	sdelay $0x1  }
0x7f: {  	s3 =	sshra.s32 s6, $0x2  }
0x80: {  	[tilespmem:s3+$0xEC70] =	vst v0  }
0x81: {  	[tilespmem:s3+$0xEC60] =	vst v0  }
0x82: {  	[tilespmem:s3+$0xEC40] =	vst v0  }
0x83: {  	[tilespmem:s3+$0xEC50] =	vst v0  }
0x84: {  	[spmem:s7] =	stream.linear.scatter [tilespmem:s29], [sflag:$0x9], $0x1A00, $0x38;
	[tilespmem:$0x1A280] =	vst v63  }
0x85: {  	_ =	swait.ge [sflag:s30], $0x1A00  }
0x86: {  	[sflag:s30] =	ssyncset.done $0x0  }
0x87: {  	[sflag:s30] =	ssyncadd.s32 $0xFFFFE600  }
0x88: {  	[spmem:s8] =	stream.linear.scatter [tilespmem:s29], [sflag:$0x9], $0x1A00, $0x38;
	[tilespmem:$0x1A280] =	vst v63  }
0x89: {  	_ =	swait.ge [sflag:s30], $0x1A00  }
0x8a: {  	[sflag:s30] =	ssyncset.done $0x0  }
0x8b: {  	[sflag:s30] =	ssyncadd.s32 $0xFFFFE600  }
0x8c: {  	[spmem:s9] =	stream.linear.scatter [tilespmem:s29], [sflag:$0x9], $0x1A00, $0x38;
	[tilespmem:$0x1A280] =	vst v63  }
0x8d: {  	_ =	swait.ge [sflag:s30], $0x1A00  }
0x8e: {  	[sflag:s30] =	ssyncset.done $0x0  }
0x8f: {  	[sflag:s30] =	ssyncadd.s32 $0xFFFFE600  }
0x90: {  	[spmem:s10] =	stream.linear.scatter [tilespmem:s29], [sflag:$0x9], $0x1A00, $0x38;
	[tilespmem:$0x1A280] =	vst v63  }
0x91: {  	_ =	swait.ge [sflag:s30], $0x1A00  }
0x92: {  	[sflag:s30] =	ssyncset.done $0x0  }
0x93: {  	[sflag:s30] =	ssyncadd.s32 $0xFFFFE600  }
0x94: {  	[spmem:s11] =	stream.linear.scatter [tilespmem:s29], [sflag:$0x9], $0x1A00, $0x38;
	[tilespmem:$0x1A280] =	vst v63  }
0x95: {  	_ =	swait.ge [sflag:s30], $0x1A00  }
0x96: {  	[sflag:s30] =	ssyncset.done $0x0  }
0x97: {  	[sflag:s30] =	ssyncadd.s32 $0xFFFFE600  }
0x98: {  	[spmem:s12] =	stream.linear.scatter [tilespmem:s29], [sflag:$0x9], $0x1A00, $0x38;
	[tilespmem:$0x1A280] =	vst v63  }
0x99: {  	_ =	swait.ge [sflag:s30], $0x1A00  }
0x9a: {  	[sflag:s30] =	ssyncset.done $0x0  }
0x9b: {  	s3 =	simm.s32 @!p0 $0xEC40;
	[sflag:s30] =	ssyncadd.s32 $0xFFFFE600  }
0x9c: {  	[spmem:s13] =	stream.linear.scatter @!p0 [tilespmem:s3], [sflag:$0x9], $0x400, $0x38;
	[tilespmem:$0x1A280] =	vst v63  }
0x9d: {  	s3 =	simm.s32 @!p0 $0x9  }
0x9e: {  	_ =	swait.ge @!p0 [sflag:s3], $0x400  }
0x9f: {  	[sflag:s3] =	ssyncset.done @!p0 $0x0  }
0xa0: {  	[sflag:s3] =	ssyncadd.s32 @!p0 $0xFFFFFC00  }
0xa1: {  	_ =	swait.ge [sflag:s31], $0x2710  }
0xa2: {  	[sflag:s31] =	ssyncset.done $0x0  }
0xa3: {  	s3 =	simm.s32 $0x0;
	[sflag:s31] =	ssyncadd.s32 $0xFFFFD8F0  }
0xa4: {  	v1 =	vld [tilespmem:s3+$0x4E60]  }
0xa5: {  	v2 =	vld [tilespmem:s3+$0x4E20]  }
0xa6: {  	v3 =	vld [tilespmem:s3+$0x4E30]  }
0xa7: {  	v4 =	vld [tilespmem:s3+$0x4E40]  }
0xa8: {  	s5 =	simm.s32 $0x140;
	v5 =	vld [tilespmem:s3+$0x4E50]  }
.LBB2_4:
0xa9: {  	s6 =	sshra.s32 s5, $0x2;
	p1 =	sne.s32 s5, $0x9B00;
	s5 =	sadd.s32 $0x140, s5;
	[tilespmem:s3+$0x7570] =	vst v1  }
.Ltmp3:
0xaa: {  	v1 =	vld [tilespmem:s6+$0x4E60];
	[tilespmem:s3+$0x7530] =	vst v2;
	(pc) =	sbr.rel @p1 .LBB2_4-.Ltmp3, $4  }
0xab: {  	v2 =	vld [tilespmem:s6+$0x4E20];
	[tilespmem:s3+$0x7540] =	vst v3  }
0xac: {  	v3 =	vld [tilespmem:s6+$0x4E30];
	[tilespmem:s3+$0x7550] =	vst v4  }
0xad: {  	v4 =	vld [tilespmem:s6+$0x4E40];
	[tilespmem:s3+$0x7560] =	vst v5;
	s3 =	smov.u32 s6  }
0xae: {  	v5 =	vld [tilespmem:s3+$0x4E50]  }
0xaf: {  	[tilespmem:s3+$0x7570] =	vst v1  }
0xb0: {  	[tilespmem:s3+$0x7530] =	vst v2  }
0xb1: {  	[tilespmem:s3+$0x7540] =	vst v3  }
0xb2: {  	[tilespmem:s3+$0x7550] =	vst v4  }
0xb3: {  	[tilespmem:s3+$0x7560] =	vst v5  }
0xb4: {  	s5 =	simm.s32 $0x0;
	[bflag:$0x0] =	sbarrier.arrive $0xFFFF  }
.LBB2_6:
0xb5: {  	s3 =	sshra.s32 s5, $0x2  }
0xb6: {  	v1 =	vld [tilespmem:s3+$0x140]  }
0xb7: {  	v2 =	vld [tilespmem:s3+$0x150]  }
0xb8: {  	v3 =	vld [tilespmem:s3+$0x160];
	_ =	sdelay $0x1  }
0xb9: {  	v5 =	vld [tilespmem:s3+$0x170]  }
0xba: {  	v6 =	vld [tilespmem:s3+$0x180];
	v4 =	vshll.u32 v1, $0x1  }
0xbb: {  	vm0 =	vlt.s32 v1, $0x1388;
	vm13 =	vlt.s32 v2, $0x1388;
	v2 =	vshll.u32 v2, $0x1  }
0xbc: {  	v62 =	vshll.u32 v3, $0x1;
	vm1 =	vlt.s32 v3, $0x1388;
	v1 =	vadd.s32 $0xFFFFD8F1, v4  }
0xbd: {  	v7 =	vadd.s32 $0xFFFFD8F1, v2;
	v3 =	vadd.s32 $0xFFFFD8F1, v62;
	v1 =	vsel vm0, v4, v1  }
0xbe: {  	v2 =	vsel vm13, v2, v7;
	[tilespmem:s3+$0x2850] =	vst v1;
	v1 =	vsel vm1, v62, v3;
	v3 =	vshll.u32 v5, $0x1  }
0xbf: {  	vm14 =	vlt.s32 v5, $0x1388;
	v63 =	vshll.u32 v6, $0x1;
	[tilespmem:s3+$0x2860] =	vst v2;
	v2 =	vadd.s32 $0xFFFFD8F1, v3  }
0xc0: {  	vm15 =	vlt.s32 v6, $0x1388;
	[tilespmem:s3+$0x2870] =	vst v1;
	v1 =	vsel vm14, v3, v2;
	v2 =	vadd.s32 $0xFFFFD8F1, v63  }
0xc1: {  	[tilespmem:s3+$0x2880] =	vst v1;
	v1 =	vsel vm15, v63, v2  }
0xc2: {  	[tilespmem:s3+$0x2890] =	vst v1  }
0xc3: {  	_ =	swait.ge [sflag:s1], $0x1400  }
0xc4: {  	[sflag:s1] =	ssyncset.done $0x0  }
0xc5: {  	p1 =	seq.s32 s5, $0x9600;
	s6 =	sadd.s32 $0x7530, s3;
	[sflag:s1] =	ssyncadd.s32 $0xFFFFEC00  }
0xc6: {  	[spmem:s2] =	stream.indirect.scatter.add.f32 [tilespmem:s21], [sflag:$0x5], $0x40, s6, s19, $0xb8;
	[tilespmem:$0x1A280] =	vst v63  }
.Ltmp4:
0xc7: {  	_ =	swait.ge [sflag:s18], $0x1400;
	(pc) =	sbr.rel @p1 .LBB2_8-.Ltmp4, $4  }
0xc8: {  	[sflag:s18] =	ssyncset.done $0x0  }
0xc9: {  	s6 =	sadd.s32 $0x2850, s3;
	[sflag:s18] =	ssyncadd.s32 $0xFFFFEC00  }
0xca: {  	[tilespmem:s21], [sflag:$0x1] =	stream.indirect.gather [hbm4b:s4+s19], $0x40, s6, s19, $0xb8;
	[tilespmem:$0x1A280] =	vst v63  }
0xcb: {  	s6 =	sadd.s32 $0x7580, s3  }
0xcc: {  	v1 =	vld [tilespmem:s3+$0x190]  }
0xcd: {  	v2 =	vld [tilespmem:s3+$0x1A0]  }
0xce: {  	v3 =	vld [tilespmem:s3+$0x1B0];
	_ =	sdelay $0x1  }
0xcf: {  	v5 =	vld [tilespmem:s3+$0x1C0]  }
0xd0: {  	v6 =	vld [tilespmem:s3+$0x1D0];
	v4 =	vshll.u32 v1, $0x1  }
0xd1: {  	vm0 =	vlt.s32 v1, $0x1388;
	vm15 =	vlt.s32 v2, $0x1388;
	v2 =	vshll.u32 v2, $0x1  }
0xd2: {  	v50 =	vshll.u32 v3, $0x1;
	vm1 =	vlt.s32 v3, $0x1388;
	v1 =	vadd.s32 $0xFFFFD8F1, v4  }
0xd3: {  	v7 =	vadd.s32 $0xFFFFD8F1, v2;
	v3 =	vadd.s32 $0xFFFFD8F1, v50;
	v1 =	vsel vm0, v4, v1  }
0xd4: {  	[tilespmem:s3+$0x28A0] =	vst v1;
	v1 =	vsel vm15, v2, v7;
	v2 =	vsel vm1, v50, v3;
	v3 =	vshll.u32 v5, $0x1  }
0xd5: {  	vm4 =	vlt.s32 v5, $0x1388;
	v51 =	vshll.u32 v6, $0x1;
	[tilespmem:s3+$0x28B0] =	vst v1;
	v1 =	vadd.s32 $0xFFFFD8F1, v3  }
0xd6: {  	vm5 =	vlt.s32 v6, $0x1388;
	[tilespmem:s3+$0x28C0] =	vst v2;
	v2 =	vadd.s32 $0xFFFFD8F1, v51;
	v1 =	vsel vm4, v3, v1  }
0xd7: {  	[tilespmem:s3+$0x28D0] =	vst v1;
	v1 =	vsel vm5, v51, v2  }
0xd8: {  	[tilespmem:s3+$0x28E0] =	vst v1  }
0xd9: {  	_ =	swait.ge [sflag:s17], $0x1400  }
0xda: {  	[sflag:s17] =	ssyncset.done $0x0  }
0xdb: {  	[sflag:s17] =	ssyncadd.s32 $0xFFFFEC00  }
0xdc: {  	[spmem:s2] =	stream.indirect.scatter.add.f32 [tilespmem:s23], [sflag:$0x6], $0x40, s6, s19, $0xb8;
	[tilespmem:$0x1A280] =	vst v63  }
0xdd: {  	_ =	swait.ge [sflag:s31], $0x1400  }
0xde: {  	[sflag:s31] =	ssyncset.done $0x0  }
0xdf: {  	s6 =	sadd.s32 $0x28A0, s3;
	[sflag:s31] =	ssyncadd.s32 $0xFFFFEC00  }
0xe0: {  	[tilespmem:s23], [sflag:$0x2] =	stream.indirect.gather [hbm4b:s4+s19], $0x40, s6, s19, $0xb8;
	[tilespmem:$0x1A280] =	vst v63  }
0xe1: {  	v1 =	vld [tilespmem:s3+$0x1E0]  }
0xe2: {  	v2 =	vld [tilespmem:s3+$0x1F0]  }
0xe3: {  	v3 =	vld [tilespmem:s3+$0x200];
	_ =	sdelay $0x1  }
0xe4: {  	v53 =	vld [tilespmem:s3+$0x210]  }
0xe5: {  	v54 =	vld [tilespmem:s3+$0x220];
	v52 =	vshll.u32 v1, $0x1  }
0xe6: {  	vm6 =	vlt.s32 v1, $0x1388;
	vm7 =	vlt.s32 v2, $0x1388;
	v2 =	vshll.u32 v2, $0x1  }
0xe7: {  	v55 =	vshll.u32 v3, $0x1;
	vm8 =	vlt.s32 v3, $0x1388;
	v1 =	vadd.s32 $0xFFFFD8F1, v52  }
0xe8: {  	v56 =	vadd.s32 $0xFFFFD8F1, v2;
	v3 =	vadd.s32 $0xFFFFD8F1, v55;
	v1 =	vsel vm6, v52, v1  }
0xe9: {  	[tilespmem:s3+$0x28F0] =	vst v1;
	v1 =	vsel vm7, v2, v56;
	v2 =	vsel vm8, v55, v3;
	v3 =	vshll.u32 v53, $0x1  }
0xea: {  	vm9 =	vlt.s32 v53, $0x1388;
	v57 =	vshll.u32 v54, $0x1;
	[tilespmem:s3+$0x2900] =	vst v1;
	v1 =	vadd.s32 $0xFFFFD8F1, v3  }
0xeb: {  	vm10 =	vlt.s32 v54, $0x1388;
	[tilespmem:s3+$0x2910] =	vst v2;
	v2 =	vadd.s32 $0xFFFFD8F1, v57;
	v1 =	vsel vm9, v3, v1  }
0xec: {  	[tilespmem:s3+$0x2920] =	vst v1;
	v1 =	vsel vm10, v57, v2  }
0xed: {  	[tilespmem:s3+$0x2930] =	vst v1  }
0xee: {  	_ =	swait.ge [sflag:s20], $0x1400  }
0xef: {  	[sflag:s20] =	ssyncset.done $0x0  }
0xf0: {  	s6 =	sadd.s32 $0x75D0, s3;
	[sflag:s20] =	ssyncadd.s32 $0xFFFFEC00  }
0xf1: {  	[spmem:s2] =	stream.indirect.scatter.add.f32 [tilespmem:s25], [sflag:$0x7], $0x40, s6, s19, $0xb8;
	[tilespmem:$0x1A280] =	vst v63  }
0xf2: {  	_ =	swait.ge [sflag:s26], $0x1400  }
0xf3: {  	[sflag:s26] =	ssyncset.done $0x0  }
0xf4: {  	s6 =	sadd.s32 $0x28F0, s3;
	[sflag:s26] =	ssyncadd.s32 $0xFFFFEC00  }
0xf5: {  	[tilespmem:s25], [sflag:$0x3] =	stream.indirect.gather [hbm4b:s4+s19], $0x40, s6, s19, $0xb8;
	[tilespmem:$0x1A280] =	vst v63  }
0xf6: {  	v1 =	vld [tilespmem:s3+$0x230]  }
0xf7: {  	v2 =	vld [tilespmem:s3+$0x240]  }
0xf8: {  	v3 =	vld [tilespmem:s3+$0x250];
	_ =	sdelay $0x1  }
0xf9: {  	v59 =	vld [tilespmem:s3+$0x260]  }
0xfa: {  	v60 =	vld [tilespmem:s3+$0x270];
	v58 =	vshll.u32 v1, $0x1  }
0xfb: {  	vm11 =	vlt.s32 v1, $0x1388;
	vm12 =	vlt.s32 v2, $0x1388;
	v2 =	vshll.u32 v2, $0x1  }
0xfc: {  	v61 =	vshll.u32 v3, $0x1;
	vm13 =	vlt.s32 v3, $0x1388;
	v1 =	vadd.s32 $0xFFFFD8F1, v58  }
0xfd: {  	v62 =	vadd.s32 $0xFFFFD8F1, v2;
	v3 =	vadd.s32 $0xFFFFD8F1, v61;
	v1 =	vsel vm11, v58, v1  }
0xfe: {  	v2 =	vsel vm12, v2, v62;
	[tilespmem:s3+$0x2940] =	vst v1;
	v1 =	vsel vm13, v61, v3;
	v3 =	vshll.u32 v59, $0x1  }
0xff: {  	vm14 =	vlt.s32 v59, $0x1388;
	v63 =	vshll.u32 v60, $0x1;
	[tilespmem:s3+$0x2950] =	vst v2;
	v2 =	vadd.s32 $0xFFFFD8F1, v3  }
0x100: {  	vm15 =	vlt.s32 v60, $0x1388;
	[tilespmem:s3+$0x2960] =	vst v1;
	v1 =	vsel vm14, v3, v2;
	v2 =	vadd.s32 $0xFFFFD8F1, v63  }
0x101: {  	[tilespmem:s3+$0x2970] =	vst v1;
	v1 =	vsel vm15, v63, v2  }
0x102: {  	[tilespmem:s3+$0x2980] =	vst v1  }
0x103: {  	_ =	swait.ge [sflag:s22], $0x1400  }
0x104: {  	[sflag:s22] =	ssyncset.done $0x0  }
0x105: {  	s6 =	sadd.s32 $0x7620, s3;
	[sflag:s22] =	ssyncadd.s32 $0xFFFFEC00  }
0x106: {  	[spmem:s2] =	stream.indirect.scatter.add.f32 [tilespmem:s28], [sflag:$0x8], $0x40, s6, s19, $0xb8;
	[tilespmem:$0x1A280] =	vst v63  }
.Ltmp5:
0x107: {  	_ = 	snop;
	(pc) =	sbr.rel .LBB2_6-.Ltmp5, $4  }
0x108: {  	_ =	swait.ge [sflag:s24], $0x1400  }
0x109: {  	[sflag:s24] =	ssyncset.done $0x0  }
0x10a: {  	s5 =	sadd.s32 $0x500, s5;
	s6 =	sadd.s32 $0x2940, s3;
	[sflag:s24] =	ssyncadd.s32 $0xFFFFEC00  }
0x10b: {  	[tilespmem:s28], [sflag:$0x4] =	stream.indirect.gather [hbm4b:s4+s19], $0x40, s6, s19, $0xb8;
	[tilespmem:$0x1A280] =	vst v63  }
.LBB2_9:
0x10c: {  	_ =	sfence.sel $0x180000  }
0x10d: {  	[bflag:$0x0] =	sbarrier.arrive $0xFFFF  }
0x10e: {  	_ =	strace $0x90000047  }
0x10f: {  	s0 =	stileid.u32;
	[bflag:$0x2] =	sbarrier.arrive $0xFFFF  }
0x110: {  	p0 =	sne.s32 s0, $0x0;
	s0 =	rddreg [dreg:$0x2]  }
0x111: {  	s0 =	sadd.s32 @!p0 $0x100000, s0  }
0x112: {  	[sflag:s0] =	ssyncadd.tile.s32 @!p0 $0x1;
	_ =	shalt  }
.Lfunc_end2:
_tile_overlayer_lowered:
.L_overlay_start_2:
0x113: {  	(tag) =	ssettag $0x2  }
0x114: {  	s0 =	rddreg [dreg:$0x0];
	s2 =	stileid.u32  }
0x115: {  	s1 =	rddreg [dreg:$0x1];
	p0 =	sne.s32 s2, $0x0  }
0x116: {  	s3 =	rddreg [dreg:$0x2];
	[bflag:$0x3] =	sbarrier.arrive $0xFFFF;
	s2 =	simm.s32 @!p0 $0x1C09  }
0x117: {  	[timem:s3], [sflag:s2] =	dma.local @!p0 [hbm:s0], s1  }
0x118: {  	s0 =	simm.s32 @!p0 $0x9  }
0x119: {  	_ =	swait.ge @!p0 [sflag:s0], s1  }
0x11a: {  	s1 =	ssub.s32 @!p0 $0x0, s1;
	[sflag:s0] =	ssyncset.done @!p0 $0x0  }
0x11b: {  	[sflag:s0] =	ssyncadd.s32 @!p0 s1  }
0x11c: {  	[bflag:$0x3] =	sbarrier.arrive $0xFFFF  }
0x11d: {  	_ =	shalt  }

</sc_bundles>
